<compile_context>
chip_gen: v7x
topology: tpu7x:2x2x1
jax: 0.10.2.dev20260603
libtpu: 0.0.44.dev20260713+nightly
codegen_flags: <defaults>
</compile_context>

<pallas_src>
import functools

import jax
import jax.numpy as jnp
from jax import lax
from jax.experimental import pallas as pl
from jax.experimental.pallas import tpu as pltpu
from jax.experimental.pallas import tpu_sc as plsc

_BATCH = 16384
_DIM = 32
_LANES = 128
_NUM_CORES = 2
_NUM_SUBCORES = 16
_NUM_WORKERS = _NUM_CORES * _NUM_SUBCORES
_B_PER_W = _BATCH // _NUM_WORKERS
_CHUNK = 16
_NCHUNK = _B_PER_W // _CHUNK
_TC_PER_W = _B_PER_W // _LANES
_NTC = _BATCH // _LANES


def _gather_body(idx_hbm, tableT_hbm, out_hbm, idx_v, q_v, r_v, blocks_v,
                 out_v, sem):
    wid = lax.axis_index("s") * _NUM_CORES + lax.axis_index("c")
    base = wid * _B_PER_W
    pltpu.sync_copy(idx_hbm.at[pl.ds(base, _B_PER_W)], idx_v)

    @plsc.parallel_loop(0, _B_PER_W, 16)
    def _(i):
        v = idx_v[pl.ds(i, 16)]
        q_v[pl.ds(i, 16)] = v & jnp.int32(~(_LANES - 1))
        r_v[pl.ds(i, 16)] = v & jnp.int32(_LANES - 1)

    lanes = lax.iota(jnp.int32, 16)

    def chunk_body(g, carry):
        k0 = g * _CHUNK
        qv = q_v[pl.ds(k0, 16)]
        copies = []
        for j in range(_CHUNK):
            copies.append(pltpu.make_async_copy(
                tableT_hbm.at[
                    :, pl.ds(pl.multiple_of(qv[j], _LANES), _LANES)],
                blocks_v.at[j],
                sem,
            ))
        for c in copies:
            c.start()
        for c in copies:
            c.wait()

        rv = r_v[pl.ds(k0, 16)]
        tcl = k0 // _LANES
        kin = k0 % _LANES
        for c in range(_DIM):
            vals = plsc.load_gather(
                blocks_v, [lanes, jnp.full((16,), c, jnp.int32), rv])
            pos = ((c // 8) * _TC_PER_W + tcl) * 1024 + (c % 8) * 128 + kin
            out_v[pl.ds(pos, 16)] = vals
        return carry

    lax.fori_loop(0, _NCHUNK, chunk_body, 0)

    for tr in range(_DIM // 8):
        for tcl in range(_TC_PER_W):
            tc = wid * _TC_PER_W + tcl
            pltpu.sync_copy(
                out_v.at[pl.ds((tr * _TC_PER_W + tcl) * 1024, 1024)],
                out_hbm.at[pl.ds((tr * _NTC + tc) * 1024, 1024)],
            )


@jax.jit
def kernel(x, embedding_publisher):
    idx = x[:, 0].astype(jnp.int32)
    tableT = embedding_publisher.T
    mesh = plsc.VectorSubcoreMesh(core_axis_name="c", subcore_axis_name="s")
    run = functools.partial(
        pl.kernel,
        mesh=mesh,
        out_type=jax.ShapeDtypeStruct((_BATCH * _DIM,), jnp.float32),
        scratch_types=[
            pltpu.VMEM((_B_PER_W,), jnp.int32),
            pltpu.VMEM((_B_PER_W,), jnp.int32),
            pltpu.VMEM((_B_PER_W,), jnp.int32),
            pltpu.VMEM((_CHUNK, _DIM, _LANES), jnp.float32),
            pltpu.VMEM((_B_PER_W * _DIM,), jnp.float32),
            pltpu.SemaphoreType.DMA,
        ],
        compiler_params=pltpu.CompilerParams(
            needs_layout_passes=False,
            disable_bounds_checks=True,
            disable_semaphore_checks=True,
        ),
    )(_gather_body)
    out_flat = run(idx, tableT)
    out = (out_flat.reshape(_DIM // 8, _NTC, 8, _LANES)
           .transpose(0, 2, 1, 3)
           .reshape(_DIM, _BATCH)
           .T)
    return out

# --- scband reference (transcript-rebuilt; emitter-appended) ---
"""Pipeline reference for scband-item-db-16071767622198 (READ-ONLY COPY).

The authoritative reference and input builder live on the scoring server;
editing this copy changes nothing except your own understanding.
"""

import jax, jax.numpy as jnp
import numpy as np

NUM_PUBLISHER = 1000000
EMBEDDING_DIM = 32
BATCH = 16384
N_FIELDS = 26

def setup_inputs(seed: int = 0) -> dict:
    key = jax.random.key(seed)
    k1, k2 = jax.random.split(key)
    x = jax.random.randint(k1, (BATCH, N_FIELDS), 0, NUM_PUBLISHER, dtype=jnp.int64 if jax.config.jax_enable_x64 else jnp.int32)
    table = jax.random.normal(k2, (NUM_PUBLISHER, EMBEDDING_DIM), dtype=jnp.float32)
    return {"x": x, "embedding_publisher": table}

def reference(x, embedding_publisher):
    # itemDB.forward: take column 0 as publisher idx, look up embedding
    publisher_idx = x[:, 0]
    publisher_emb = jnp.take(embedding_publisher, publisher_idx, axis=0)
    return publisher_emb

if __name__ == "__main__":
    import jax
    _d = setup_inputs()
    print(jax.jit(kernel)(*tuple(_d.values())))

</pallas_src>

<mosaic_0001>
#map = affine_map<(d0, d1) -> (0)>
#map1 = affine_map<(d0, d1) -> (0, 0)>
module attributes {stable_mosaic.version = 14 : i64} {
  func.func @_gather_body(%arg0: i32, %arg1: i32, %arg2: memref<16384xi32, #tpu.memory_space<hbm>>, %arg3: memref<32x1000000xf32, #tpu.memory_space<hbm>>, %arg4: memref<524288xf32, #tpu.memory_space<hbm>>, %arg5: memref<512xi32, #tpu.memory_space<vmem>>, %arg6: memref<512xi32, #tpu.memory_space<vmem>>, %arg7: memref<512xi32, #tpu.memory_space<vmem>>, %arg8: memref<16x32x128xf32, #tpu.memory_space<vmem>>, %arg9: memref<16384xf32, #tpu.memory_space<vmem>>, %arg10: memref<!tpu.dma_semaphore, #tpu.memory_space<semaphore_mem>>) attributes {dimension_semantics = [#tpu.dimension_semantics<core_parallel>, #tpu.dimension_semantics<subcore_parallel>], iteration_bounds = array<i64: 2, 16>, scalar_prefetch = 0 : i64, scratch_operands = 6 : i64, tpu.core_type = #tpu.core_type<sc_vector_subcore>, window_params = [{transform_indices = #map}, {transform_indices = #map1}, {transform_indices = #map}]} {
    %mul3A = arith.constant 2 : i32
    %mul3A_0 = arith.muli %arg1, %mul3A : i32
    %add3A = arith.addi %mul3A_0, %arg0 : i32
    %mul3A_1 = arith.constant 512 : i32
    %mul3A_2 = arith.muli %add3A, %mul3A_1 : i32
    "tpu.region"() ({
      %run_scoped3A = tpu.sem_alloc : memref<!tpu.dma_semaphore, #tpu.memory_space<semaphore_mem>>
      %dma_start3A = tpu.memref_slice %arg2[%mul3A_2] : memref<16384xi32, #tpu.memory_space<hbm>> -> memref<512xi32, #tpu.memory_space<hbm>>
      %dma_start3A_138 = tpu.memref_slice %arg2[%mul3A_2] : memref<16384xi32, #tpu.memory_space<hbm>> -> memref<512xi32, #tpu.memory_space<hbm>>
      tpu.enqueue_dma source(%dma_start3A_138 : memref<512xi32, #tpu.memory_space<hbm>>) target(%arg5 : memref<512xi32, #tpu.memory_space<vmem>>) target_semaphore(%run_scoped3A : memref<!tpu.dma_semaphore, #tpu.memory_space<semaphore_mem>>)
      %dma_wait3A = tpu.memref_slice %arg2[%mul3A_2] : memref<16384xi32, #tpu.memory_space<hbm>> -> memref<512xi32, #tpu.memory_space<hbm>>
      %dma_wait3A_139 = tpu.memref_slice %arg2[%mul3A_2] : memref<16384xi32, #tpu.memory_space<hbm>> -> memref<512xi32, #tpu.memory_space<hbm>>
      tpu.wait_dma2 semaphore(%run_scoped3A : memref<!tpu.dma_semaphore, #tpu.memory_space<semaphore_mem>>) src(%dma_wait3A_139 : memref<512xi32, #tpu.memory_space<hbm>>) dst(%arg5 : memref<512xi32, #tpu.memory_space<vmem>>)
      tpu.yield
    }) : () -> ()
    %parallel_loop3A = arith.constant 0 : i32
    %parallel_loop3A_3 = arith.constant 512 : i32
    %parallel_loop3A_4 = arith.constant 16 : i32
    scf.for %parallel_loop3A_138 = %parallel_loop3A to %parallel_loop3A_3 step %parallel_loop3A_4  : i32 {
      %parallel_loop3A_139 = arith.index_cast %parallel_loop3A_138 : i32 to index
      %parallel_loop3A_140 = tpu.vector_load %arg5[%parallel_loop3A_139] {strides = array<i32>} : memref<512xi32, #tpu.memory_space<vmem>>, vector<16xi32>,
      %parallel_loop3A_141 = arith.constant -128 : i32
      %parallel_loop3A_142 = vector.broadcast %parallel_loop3A_141 : i32 to vector<16xi32>
      %parallel_loop3A_143 = arith.andi %parallel_loop3A_140, %parallel_loop3A_142 : vector<16xi32>
      %parallel_loop3A_144 = arith.index_cast %parallel_loop3A_138 : i32 to index
      %parallel_loop3A_145 = tpu.vector_load %arg6[%parallel_loop3A_144] {strides = array<i32>} : memref<512xi32, #tpu.memory_space<vmem>>, vector<16xi32>,
      tpu.vector_store %arg6[%parallel_loop3A_144], %parallel_loop3A_143 {strides = array<i32>} : memref<512xi32, #tpu.memory_space<vmem>>, vector<16xi32>,
      %parallel_loop3A_146 = arith.constant 127 : i32
      %parallel_loop3A_147 = vector.broadcast %parallel_loop3A_146 : i32 to vector<16xi32>
      %parallel_loop3A_148 = arith.andi %parallel_loop3A_140, %parallel_loop3A_147 : vector<16xi32>
      %parallel_loop3A_149 = arith.index_cast %parallel_loop3A_138 : i32 to index
      %parallel_loop3A_150 = tpu.vector_load %arg7[%parallel_loop3A_149] {strides = array<i32>} : memref<512xi32, #tpu.memory_space<vmem>>, vector<16xi32>,
      tpu.vector_store %arg7[%parallel_loop3A_149], %parallel_loop3A_148 {strides = array<i32>} : memref<512xi32, #tpu.memory_space<vmem>>, vector<16xi32>,
    } {sc.loop_unroll_factor = 1 : i64, sc.parallel_access}
    %iota3A = tpu.iota {dimensions = array<i32: 0>} : vector<16xi32>
    %scan3A = arith.constant 0 : i32
    %scan3A_5 = arith.constant 0 : i32
    %scan3A_6 = arith.constant 32 : i32
    %scan3A_7 = arith.addi %scan3A_5, %scan3A_6 : i32
    %scan3A_8 = arith.constant 1 : i32
    scf.for %scan3A_138 = %scan3A_5 to %scan3A_7 step %scan3A_8  : i32 {
      %mul3A_139 = arith.constant 16 : i32
      %mul3A_140 = arith.muli %scan3A_138, %mul3A_139 : i32
      %get3A = arith.index_cast %mul3A_140 : i32 to index
      %get3A_141 = tpu.vector_load %arg6[%get3A] {strides = array<i32>} : memref<512xi32, #tpu.memory_space<vmem>>, vector<16xi32>,
      %slice3A = vector.extract_strided_slice %get3A_141 {offsets = [0], sizes = [1], strides = [1]} : vector<16xi32> to vector<1xi32>
      %squeeze3A = vector.extract %slice3A[0] : i32 from vector<1xi32>
      %multiple_of3A = tpu.assume_multiple %squeeze3A, 128 : i32
      %slice3A_142 = vector.extract_strided_slice %get3A_141 {offsets = [1], sizes = [1], strides = [1]} : vector<16xi32> to vector<1xi32>
      %squeeze3A_143 = vector.extract %slice3A_142[0] : i32 from vector<1xi32>
      %multiple_of3A_144 = tpu.assume_multiple %squeeze3A_143, 128 : i32
      %slice3A_145 = vector.extract_strided_slice %get3A_141 {offsets = [2], sizes = [1], strides = [1]} : vector<16xi32> to vector<1xi32>
      %squeeze3A_146 = vector.extract %slice3A_145[0] : i32 from vector<1xi32>
      %multiple_of3A_147 = tpu.assume_multiple %squeeze3A_146, 128 : i32
      %slice3A_148 = vector.extract_strided_slice %get3A_141 {offsets = [3], sizes = [1], strides = [1]} : vector<16xi32> to vector<1xi32>
      %squeeze3A_149 = vector.extract %slice3A_148[0] : i32 from vector<1xi32>
      %multiple_of3A_150 = tpu.assume_multiple %squeeze3A_149, 128 : i32
      %slice3A_151 = vector.extract_strided_slice %get3A_141 {offsets = [4], sizes = [1], strides = [1]} : vector<16xi32> to vector<1xi32>
      %squeeze3A_152 = vector.extract %slice3A_151[0] : i32 from vector<1xi32>
      %multiple_of3A_153 = tpu.assume_multiple %squeeze3A_152, 128 : i32
      %slice3A_154 = vector.extract_strided_slice %get3A_141 {offsets = [5], sizes = [1], strides = [1]} : vector<16xi32> to vector<1xi32>
      %squeeze3A_155 = vector.extract %slice3A_154[0] : i32 from vector<1xi32>
      %multiple_of3A_156 = tpu.assume_multiple %squeeze3A_155, 128 : i32
      %slice3A_157 = vector.extract_strided_slice %get3A_141 {offsets = [6], sizes = [1], strides = [1]} : vector<16xi32> to vector<1xi32>
      %squeeze3A_158 = vector.extract %slice3A_157[0] : i32 from vector<1xi32>
      %multiple_of3A_159 = tpu.assume_multiple %squeeze3A_158, 128 : i32
      %slice3A_160 = vector.extract_strided_slice %get3A_141 {offsets = [7], sizes = [1], strides = [1]} : vector<16xi32> to vector<1xi32>
      %squeeze3A_161 = vector.extract %slice3A_160[0] : i32 from vector<1xi32>
      %multiple_of3A_162 = tpu.assume_multiple %squeeze3A_161, 128 : i32
      %slice3A_163 = vector.extract_strided_slice %get3A_141 {offsets = [8], sizes = [1], strides = [1]} : vector<16xi32> to vector<1xi32>
      %squeeze3A_164 = vector.extract %slice3A_163[0] : i32 from vector<1xi32>
      %multiple_of3A_165 = tpu.assume_multiple %squeeze3A_164, 128 : i32
      %slice3A_166 = vector.extract_strided_slice %get3A_141 {offsets = [9], sizes = [1], strides = [1]} : vector<16xi32> to vector<1xi32>
      %squeeze3A_167 = vector.extract %slice3A_166[0] : i32 from vector<1xi32>
      %multiple_of3A_168 = tpu.assume_multiple %squeeze3A_167, 128 : i32
      %slice3A_169 = vector.extract_strided_slice %get3A_141 {offsets = [10], sizes = [1], strides = [1]} : vector<16xi32> to vector<1xi32>
      %squeeze3A_170 = vector.extract %slice3A_169[0] : i32 from vector<1xi32>
      %multiple_of3A_171 = tpu.assume_multiple %squeeze3A_170, 128 : i32
      %slice3A_172 = vector.extract_strided_slice %get3A_141 {offsets = [11], sizes = [1], strides = [1]} : vector<16xi32> to vector<1xi32>
      %squeeze3A_173 = vector.extract %slice3A_172[0] : i32 from vector<1xi32>
      %multiple_of3A_174 = tpu.assume_multiple %squeeze3A_173, 128 : i32
      %slice3A_175 = vector.extract_strided_slice %get3A_141 {offsets = [12], sizes = [1], strides = [1]} : vector<16xi32> to vector<1xi32>
      %squeeze3A_176 = vector.extract %slice3A_175[0] : i32 from vector<1xi32>
      %multiple_of3A_177 = tpu.assume_multiple %squeeze3A_176, 128 : i32
      %slice3A_178 = vector.extract_strided_slice %get3A_141 {offsets = [13], sizes = [1], strides = [1]} : vector<16xi32> to vector<1xi32>
      %squeeze3A_179 = vector.extract %slice3A_178[0] : i32 from vector<1xi32>
      %multiple_of3A_180 = tpu.assume_multiple %squeeze3A_179, 128 : i32
      %slice3A_181 = vector.extract_strided_slice %get3A_141 {offsets = [14], sizes = [1], strides = [1]} : vector<16xi32> to vector<1xi32>
      %squeeze3A_182 = vector.extract %slice3A_181[0] : i32 from vector<1xi32>
      %multiple_of3A_183 = tpu.assume_multiple %squeeze3A_182, 128 : i32
      %slice3A_184 = vector.extract_strided_slice %get3A_141 {offsets = [15], sizes = [1], strides = [1]} : vector<16xi32> to vector<1xi32>
      %squeeze3A_185 = vector.extract %slice3A_184[0] : i32 from vector<1xi32>
      %multiple_of3A_186 = tpu.assume_multiple %squeeze3A_185, 128 : i32
      %dma_start3A = arith.constant 0 : i32
      %dma_start3A_187 = arith.constant 0 : i32
      %dma_start3A_188 = arith.constant 0 : i32
      %dma_start3A_189 = tpu.memref_slice %arg8[%dma_start3A, %dma_start3A_187, %dma_start3A_188] : memref<16x32x128xf32, #tpu.memory_space<vmem>> -> memref<1x32x128xf32, #tpu.memory_space<vmem>>
      %dma_start3A_190 = tpu.memref_squeeze %dma_start3A_189 : memref<1x32x128xf32, #tpu.memory_space<vmem>> -> memref<32x128xf32, #tpu.memory_space<vmem>>
      %dma_start3A_191 = arith.constant 0 : i32
      %dma_start3A_192 = tpu.memref_slice %arg3[%dma_start3A_191, %multiple_of3A] : memref<32x1000000xf32, #tpu.memory_space<hbm>> -> memref<32x128xf32, #tpu.memory_space<hbm>>
      %dma_start3A_193 = arith.constant 0 : i32
      %dma_start3A_194 = arith.constant 0 : i32
      %dma_start3A_195 = tpu.memref_slice %arg8[%dma_start3A, %dma_start3A_193, %dma_start3A_194] : memref<16x32x128xf32, #tpu.memory_space<vmem>> -> memref<1x32x128xf32, #tpu.memory_space<vmem>>
      %dma_start3A_196 = tpu.memref_squeeze %dma_start3A_195 : memref<1x32x128xf32, #tpu.memory_space<vmem>> -> memref<32x128xf32, #tpu.memory_space<vmem>>
      %dma_start3A_197 = arith.constant 0 : i32
      %dma_start3A_198 = tpu.memref_slice %arg3[%dma_start3A_197, %multiple_of3A] : memref<32x1000000xf32, #tpu.memory_space<hbm>> -> memref<32x128xf32, #tpu.memory_space<hbm>>
      tpu.enqueue_dma source(%dma_start3A_198 : memref<32x128xf32, #tpu.memory_space<hbm>>) target(%dma_start3A_196 : memref<32x128xf32, #tpu.memory_space<vmem>>) target_semaphore(%arg10 : memref<!tpu.dma_semaphore, #tpu.memory_space<semaphore_mem>>)
      %dma_start3A_199 = arith.constant 1 : i32
      %dma_start3A_200 = arith.constant 0 : i32
      %dma_start3A_201 = arith.constant 0 : i32
      %dma_start3A_202 = tpu.memref_slice %arg8[%dma_start3A_199, %dma_start3A_200, %dma_start3A_201] : memref<16x32x128xf32, #tpu.memory_space<vmem>> -> memref<1x32x128xf32, #tpu.memory_space<vmem>>
      %dma_start3A_203 = tpu.memref_squeeze %dma_start3A_202 : memref<1x32x128xf32, #tpu.memory_space<vmem>> -> memref<32x128xf32, #tpu.memory_space<vmem>>
      %dma_start3A_204 = arith.constant 0 : i32
      %dma_start3A_205 = tpu.memref_slice %arg3[%dma_start3A_204, %multiple_of3A_144] : memref<32x1000000xf32, #tpu.memory_space<hbm>> -> memref<32x128xf32, #tpu.memory_space<hbm>>
      %dma_start3A_206 = arith.constant 0 : i32
      %dma_start3A_207 = arith.constant 0 : i32
      %dma_start3A_208 = tpu.memref_slice %arg8[%dma_start3A_199, %dma_start3A_206, %dma_start3A_207] : memref<16x32x128xf32, #tpu.memory_space<vmem>> -> memref<1x32x128xf32, #tpu.memory_space<vmem>>
      %dma_start3A_209 = tpu.memref_squeeze %dma_start3A_208 : memref<1x32x128xf32, #tpu.memory_space<vmem>> -> memref<32x128xf32, #tpu.memory_space<vmem>>
      %dma_start3A_210 = arith.constant 0 : i32
      %dma_start3A_211 = tpu.memref_slice %arg3[%dma_start3A_210, %multiple_of3A_144] : memref<32x1000000xf32, #tpu.memory_space<hbm>> -> memref<32x128xf32, #tpu.memory_space<hbm>>
      tpu.enqueue_dma source(%dma_start3A_211 : memref<32x128xf32, #tpu.memory_space<hbm>>) target(%dma_start3A_209 : memref<32x128xf32, #tpu.memory_space<vmem>>) target_semaphore(%arg10 : memref<!tpu.dma_semaphore, #tpu.memory_space<semaphore_mem>>)
      %dma_start3A_212 = arith.constant 2 : i32
      %dma_start3A_213 = arith.constant 0 : i32
      %dma_start3A_214 = arith.constant 0 : i32
      %dma_start3A_215 = tpu.memref_slice %arg8[%dma_start3A_212, %dma_start3A_213, %dma_start3A_214] : memref<16x32x128xf32, #tpu.memory_space<vmem>> -> memref<1x32x128xf32, #tpu.memory_space<vmem>>
      %dma_start3A_216 = tpu.memref_squeeze %dma_start3A_215 : memref<1x32x128xf32, #tpu.memory_space<vmem>> -> memref<32x128xf32, #tpu.memory_space<vmem>>
      %dma_start3A_217 = arith.constant 0 : i32
      %dma_start3A_218 = tpu.memref_slice %arg3[%dma_start3A_217, %multiple_of3A_147] : memref<32x1000000xf32, #tpu.memory_space<hbm>> -> memref<32x128xf32, #tpu.memory_space<hbm>>
      %dma_start3A_219 = arith.constant 0 : i32
      %dma_start3A_220 = arith.constant 0 : i32
      %dma_start3A_221 = tpu.memref_slice %arg8[%dma_start3A_212, %dma_start3A_219, %dma_start3A_220] : memref<16x32x128xf32, #tpu.memory_space<vmem>> -> memref<1x32x128xf32, #tpu.memory_space<vmem>>
      %dma_start3A_222 = tpu.memref_squeeze %dma_start3A_221 : memref<1x32x128xf32, #tpu.memory_space<vmem>> -> memref<32x128xf32, #tpu.memory_space<vmem>>
      %dma_start3A_223 = arith.constant 0 : i32
      %dma_start3A_224 = tpu.memref_slice %arg3[%dma_start3A_223, %multiple_of3A_147] : memref<32x1000000xf32, #tpu.memory_space<hbm>> -> memref<32x128xf32, #tpu.memory_space<hbm>>
      tpu.enqueue_dma source(%dma_start3A_224 : memref<32x128xf32, #tpu.memory_space<hbm>>) target(%dma_start3A_222 : memref<32x128xf32, #tpu.memory_space<vmem>>) target_semaphore(%arg10 : memref<!tpu.dma_semaphore, #tpu.memory_space<semaphore_mem>>)
      %dma_start3A_225 = arith.constant 3 : i32
      %dma_start3A_226 = arith.constant 0 : i32
      %dma_start3A_227 = arith.constant 0 : i32
      %dma_start3A_228 = tpu.memref_slice %arg8[%dma_start3A_225, %dma_start3A_226, %dma_start3A_227] : memref<16x32x128xf32, #tpu.memory_space<vmem>> -> memref<1x32x128xf32, #tpu.memory_space<vmem>>
      %dma_start3A_229 = tpu.memref_squeeze %dma_start3A_228 : memref<1x32x128xf32, #tpu.memory_space<vmem>> -> memref<32x128xf32, #tpu.memory_space<vmem>>
      %dma_start3A_230 = arith.constant 0 : i32
      %dma_start3A_231 = tpu.memref_slice %arg3[%dma_start3A_230, %multiple_of3A_150] : memref<32x1000000xf32, #tpu.memory_space<hbm>> -> memref<32x128xf32, #tpu.memory_space<hbm>>
      %dma_start3A_232 = arith.constant 0 : i32
      %dma_start3A_233 = arith.constant 0 : i32
      %dma_start3A_234 = tpu.memref_slice %arg8[%dma_start3A_225, %dma_start3A_232, %dma_start3A_233] : memref<16x32x128xf32, #tpu.memory_space<vmem>> -> memref<1x32x128xf32, #tpu.memory_space<vmem>>
      %dma_start3A_235 = tpu.memref_squeeze %dma_start3A_234 : memref<1x32x128xf32, #tpu.memory_space<vmem>> -> memref<32x128xf32, #tpu.memory_space<vmem>>
      %dma_start3A_236 = arith.constant 0 : i32
      %dma_start3A_237 = tpu.memref_slice %arg3[%dma_start3A_236, %multiple_of3A_150] : memref<32x1000000xf32, #tpu.memory_space<hbm>> -> memref<32x128xf32, #tpu.memory_space<hbm>>
      tpu.enqueue_dma source(%dma_start3A_237 : memref<32x128xf32, #tpu.memory_space<hbm>>) target(%dma_start3A_235 : memref<32x128xf32, #tpu.memory_space<vmem>>) target_semaphore(%arg10 : memref<!tpu.dma_semaphore, #tpu.memory_space<semaphore_mem>>)
      %dma_start3A_238 = arith.constant 4 : i32
      %dma_start3A_239 = arith.constant 0 : i32
      %dma_start3A_240 = arith.constant 0 : i32
      %dma_start3A_241 = tpu.memref_slice %arg8[%dma_start3A_238, %dma_start3A_239, %dma_start3A_240] : memref<16x32x128xf32, #tpu.memory_space<vmem>> -> memref<1x32x128xf32, #tpu.memory_space<vmem>>
      %dma_start3A_242 = tpu.memref_squeeze %dma_start3A_241 : memref<1x32x128xf32, #tpu.memory_space<vmem>> -> memref<32x128xf32, #tpu.memory_space<vmem>>
      %dma_start3A_243 = arith.constant 0 : i32
      %dma_start3A_244 = tpu.memref_slice %arg3[%dma_start3A_243, %multiple_of3A_153] : memref<32x1000000xf32, #tpu.memory_space<hbm>> -> memref<32x128xf32, #tpu.memory_space<hbm>>
      %dma_start3A_245 = arith.constant 0 : i32
      %dma_start3A_246 = arith.constant 0 : i32
      %dma_start3A_247 = tpu.memref_slice %arg8[%dma_start3A_238, %dma_start3A_245, %dma_start3A_246] : memref<16x32x128xf32, #tpu.memory_space<vmem>> -> memref<1x32x128xf32, #tpu.memory_space<vmem>>
      %dma_start3A_248 = tpu.memref_squeeze %dma_start3A_247 : memref<1x32x128xf32, #tpu.memory_space<vmem>> -> memref<32x128xf32, #tpu.memory_space<vmem>>
      %dma_start3A_249 = arith.constant 0 : i32
      %dma_start3A_250 = tpu.memref_slice %arg3[%dma_start3A_249, %multiple_of3A_153] : memref<32x1000000xf32, #tpu.memory_space<hbm>> -> memref<32x128xf32, #tpu.memory_space<hbm>>
      tpu.enqueue_dma source(%dma_start3A_250 : memref<32x128xf32, #tpu.memory_space<hbm>>) target(%dma_start3A_248 : memref<32x128xf32, #tpu.memory_space<vmem>>) target_semaphore(%arg10 : memref<!tpu.dma_semaphore, #tpu.memory_space<semaphore_mem>>)
      %dma_start3A_251 = arith.constant 5 : i32
      %dma_start3A_252 = arith.constant 0 : i32
      %dma_start3A_253 = arith.constant 0 : i32
      %dma_start3A_254 = tpu.memref_slice %arg8[%dma_start3A_251, %dma_start3A_252, %dma_start3A_253] : memref<16x32x128xf32, #tpu.memory_space<vmem>> -> memref<1x32x128xf32, #tpu.memory_space<vmem>>
      %dma_start3A_255 = tpu.memref_squeeze %dma_start3A_254 : memref<1x32x128xf32, #tpu.memory_space<vmem>> -> memref<32x128xf32, #tpu.memory_space<vmem>>
      %dma_start3A_256 = arith.constant 0 : i32
      %dma_start3A_257 = tpu.memref_slice %arg3[%dma_start3A_256, %multiple_of3A_156] : memref<32x1000000xf32, #tpu.memory_space<hbm>> -> memref<32x128xf32, #tpu.memory_space<hbm>>
      %dma_start3A_258 = arith.constant 0 : i32
      %dma_start3A_259 = arith.constant 0 : i32
      %dma_start3A_260 = tpu.memref_slice %arg8[%dma_start3A_251, %dma_start3A_258, %dma_start3A_259] : memref<16x32x128xf32, #tpu.memory_space<vmem>> -> memref<1x32x128xf32, #tpu.memory_space<vmem>>
      %dma_start3A_261 = tpu.memref_squeeze %dma_start3A_260 : memref<1x32x128xf32, #tpu.memory_space<vmem>> -> memref<32x128xf32, #tpu.memory_space<vmem>>
      %dma_start3A_262 = arith.constant 0 : i32
      %dma_start3A_263 = tpu.memref_slice %arg3[%dma_start3A_262, %multiple_of3A_156] : memref<32x1000000xf32, #tpu.memory_space<hbm>> -> memref<32x128xf32, #tpu.memory_space<hbm>>
      tpu.enqueue_dma source(%dma_start3A_263 : memref<32x128xf32, #tpu.memory_space<hbm>>) target(%dma_start3A_261 : memref<32x128xf32, #tpu.memory_space<vmem>>) target_semaphore(%arg10 : memref<!tpu.dma_semaphore, #tpu.memory_space<semaphore_mem>>)
      %dma_start3A_264 = arith.constant 6 : i32
      %dma_start3A_265 = arith.constant 0 : i32
      %dma_start3A_266 = arith.constant 0 : i32
      %dma_start3A_267 = tpu.memref_slice %arg8[%dma_start3A_264, %dma_start3A_265, %dma_start3A_266] : memref<16x32x128xf32, #tpu.memory_space<vmem>> -> memref<1x32x128xf32, #tpu.memory_space<vmem>>
      %dma_start3A_268 = tpu.memref_squeeze %dma_start3A_267 : memref<1x32x128xf32, #tpu.memory_space<vmem>> -> memref<32x128xf32, #tpu.memory_space<vmem>>
      %dma_start3A_269 = arith.constant 0 : i32
      %dma_start3A_270 = tpu.memref_slice %arg3[%dma_start3A_269, %multiple_of3A_159] : memref<32x1000000xf32, #tpu.memory_space<hbm>> -> memref<32x128xf32, #tpu.memory_space<hbm>>
      %dma_start3A_271 = arith.constant 0 : i32
      %dma_start3A_272 = arith.constant 0 : i32
      %dma_start3A_273 = tpu.memref_slice %arg8[%dma_start3A_264, %dma_start3A_271, %dma_start3A_272] : memref<16x32x128xf32, #tpu.memory_space<vmem>> -> memref<1x32x128xf32, #tpu.memory_space<vmem>>
      %dma_start3A_274 = tpu.memref_squeeze %dma_start3A_273 : memref<1x32x128xf32, #tpu.memory_space<vmem>> -> memref<32x128xf32, #tpu.memory_space<vmem>>
      %dma_start3A_275 = arith.constant 0 : i32
      %dma_start3A_276 = tpu.memref_slice %arg3[%dma_start3A_275, %multiple_of3A_159] : memref<32x1000000xf32, #tpu.memory_space<hbm>> -> memref<32x128xf32, #tpu.memory_space<hbm>>
      tpu.enqueue_dma source(%dma_start3A_276 : memref<32x128xf32, #tpu.memory_space<hbm>>) target(%dma_start3A_274 : memref<32x128xf32, #tpu.memory_space<vmem>>) target_semaphore(%arg10 : memref<!tpu.dma_semaphore, #tpu.memory_space<semaphore_mem>>)
      %dma_start3A_277 = arith.constant 7 : i32
      %dma_start3A_278 = arith.constant 0 : i32
      %dma_start3A_279 = arith.constant 0 : i32
      %dma_start3A_280 = tpu.memref_slice %arg8[%dma_start3A_277, %dma_start3A_278, %dma_start3A_279] : memref<16x32x128xf32, #tpu.memory_space<vmem>> -> memref<1x32x128xf32, #tpu.memory_space<vmem>>
      %dma_start3A_281 = tpu.memref_squeeze %dma_start3A_280 : memref<1x32x128xf32, #tpu.memory_space<vmem>> -> memref<32x128xf32, #tpu.memory_space<vmem>>
      %dma_start3A_282 = arith.constant 0 : i32
      %dma_start3A_283 = tpu.memref_slice %arg3[%dma_start3A_282, %multiple_of3A_162] : memref<32x1000000xf32, #tpu.memory_space<hbm>> -> memref<32x128xf32, #tpu.memory_space<hbm>>
      %dma_start3A_284 = arith.constant 0 : i32
      %dma_start3A_285 = arith.constant 0 : i32
      %dma_start3A_286 = tpu.memref_slice %arg8[%dma_start3A_277, %dma_start3A_284, %dma_start3A_285] : memref<16x32x128xf32, #tpu.memory_space<vmem>> -> memref<1x32x128xf32, #tpu.memory_space<vmem>>
      %dma_start3A_287 = tpu.memref_squeeze %dma_start3A_286 : memref<1x32x128xf32, #tpu.memory_space<vmem>> -> memref<32x128xf32, #tpu.memory_space<vmem>>
      %dma_start3A_288 = arith.constant 0 : i32
      %dma_start3A_289 = tpu.memref_slice %arg3[%dma_start3A_288, %multiple_of3A_162] : memref<32x1000000xf32, #tpu.memory_space<hbm>> -> memref<32x128xf32, #tpu.memory_space<hbm>>
      tpu.enqueue_dma source(%dma_start3A_289 : memref<32x128xf32, #tpu.memory_space<hbm>>) target(%dma_start3A_287 : memref<32x128xf32, #tpu.memory_space<vmem>>) target_semaphore(%arg10 : memref<!tpu.dma_semaphore, #tpu.memory_space<semaphore_mem>>)
      %dma_start3A_290 = arith.constant 8 : i32
      %dma_start3A_291 = arith.constant 0 : i32
      %dma_start3A_292 = arith.constant 0 : i32
      %dma_start3A_293 = tpu.memref_slice %arg8[%dma_start3A_290, %dma_start3A_291, %dma_start3A_292] : memref<16x32x128xf32, #tpu.memory_space<vmem>> -> memref<1x32x128xf32, #tpu.memory_space<vmem>>
      %dma_start3A_294 = tpu.memref_squeeze %dma_start3A_293 : memref<1x32x128xf32, #tpu.memory_space<vmem>> -> memref<32x128xf32, #tpu.memory_space<vmem>>
      %dma_start3A_295 = arith.constant 0 : i32
      %dma_start3A_296 = tpu.memref_slice %arg3[%dma_start3A_295, %multiple_of3A_165] : memref<32x1000000xf32, #tpu.memory_space<hbm>> -> memref<32x128xf32, #tpu.memory_space<hbm>>
      %dma_start3A_297 = arith.constant 0 : i32
      %dma_start3A_298 = arith.constant 0 : i32
      %dma_start3A_299 = tpu.memref_slice %arg8[%dma_start3A_290, %dma_start3A_297, %dma_start3A_298] : memref<16x32x128xf32, #tpu.memory_space<vmem>> -> memref<1x32x128xf32, #tpu.memory_space<vmem>>
      %dma_start3A_300 = tpu.memref_squeeze %dma_start3A_299 : memref<1x32x128xf32, #tpu.memory_space<vmem>> -> memref<32x128xf32, #tpu.memory_space<vmem>>
      %dma_start3A_301 = arith.constant 0 : i32
      %dma_start3A_302 = tpu.memref_slice %arg3[%dma_start3A_301, %multiple_of3A_165] : memref<32x1000000xf32, #tpu.memory_space<hbm>> -> memref<32x128xf32, #tpu.memory_space<hbm>>
      tpu.enqueue_dma source(%dma_start3A_302 : memref<32x128xf32, #tpu.memory_space<hbm>>) target(%dma_start3A_300 : memref<32x128xf32, #tpu.memory_space<vmem>>) target_semaphore(%arg10 : memref<!tpu.dma_semaphore, #tpu.memory_space<semaphore_mem>>)
      %dma_start3A_303 = arith.constant 9 : i32
      %dma_start3A_304 = arith.constant 0 : i32
      %dma_start3A_305 = arith.constant 0 : i32
      %dma_start3A_306 = tpu.memref_slice %arg8[%dma_start3A_303, %dma_start3A_304, %dma_start3A_305] : memref<16x32x128xf32, #tpu.memory_space<vmem>> -> memref<1x32x128xf32, #tpu.memory_space<vmem>>
      %dma_start3A_307 = tpu.memref_squeeze %dma_start3A_306 : memref<1x32x128xf32, #tpu.memory_space<vmem>> -> memref<32x128xf32, #tpu.memory_space<vmem>>
      %dma_start3A_308 = arith.constant 0 : i32
      %dma_start3A_309 = tpu.memref_slice %arg3[%dma_start3A_308, %multiple_of3A_168] : memref<32x1000000xf32, #tpu.memory_space<hbm>> -> memref<32x128xf32, #tpu.memory_space<hbm>>
      %dma_start3A_310 = arith.constant 0 : i32
      %dma_start3A_311 = arith.constant 0 : i32
      %dma_start3A_312 = tpu.memref_slice %arg8[%dma_start3A_303, %dma_start3A_310, %dma_start3A_311] : memref<16x32x128xf32, #tpu.memory_space<vmem>> -> memref<1x32x128xf32, #tpu.memory_space<vmem>>
      %dma_start3A_313 = tpu.memref_squeeze %dma_start3A_312 : memref<1x32x128xf32, #tpu.memory_space<vmem>> -> memref<32x128xf32, #tpu.memory_space<vmem>>
      %dma_start3A_314 = arith.constant 0 : i32
      %dma_start3A_315 = tpu.memref_slice %arg3[%dma_start3A_314, %multiple_of3A_168] : memref<32x1000000xf32, #tpu.memory_space<hbm>> -> memref<32x128xf32, #tpu.memory_space<hbm>>
      tpu.enqueue_dma source(%dma_start3A_315 : memref<32x128xf32, #tpu.memory_space<hbm>>) target(%dma_start3A_313 : memref<32x128xf32, #tpu.memory_space<vmem>>) target_semaphore(%arg10 : memref<!tpu.dma_semaphore, #tpu.memory_space<semaphore_mem>>)
      %dma_start3A_316 = arith.constant 10 : i32
      %dma_start3A_317 = arith.constant 0 : i32
      %dma_start3A_318 = arith.constant 0 : i32
      %dma_start3A_319 = tpu.memref_slice %arg8[%dma_start3A_316, %dma_start3A_317, %dma_start3A_318] : memref<16x32x128xf32, #tpu.memory_space<vmem>> -> memref<1x32x128xf32, #tpu.memory_space<vmem>>
      %dma_start3A_320 = tpu.memref_squeeze %dma_start3A_319 : memref<1x32x128xf32, #tpu.memory_space<vmem>> -> memref<32x128xf32, #tpu.memory_space<vmem>>
      %dma_start3A_321 = arith.constant 0 : i32
      %dma_start3A_322 = tpu.memref_slice %arg3[%dma_start3A_321, %multiple_of3A_171] : memref<32x1000000xf32, #tpu.memory_space<hbm>> -> memref<32x128xf32, #tpu.memory_space<hbm>>
      %dma_start3A_323 = arith.constant 0 : i32
      %dma_start3A_324 = arith.constant 0 : i32
      %dma_start3A_325 = tpu.memref_slice %arg8[%dma_start3A_316, %dma_start3A_323, %dma_start3A_324] : memref<16x32x128xf32, #tpu.memory_space<vmem>> -> memref<1x32x128xf32, #tpu.memory_space<vmem>>
      %dma_start3A_326 = tpu.memref_squeeze %dma_start3A_325 : memref<1x32x128xf32, #tpu.memory_space<vmem>> -> memref<32x128xf32, #tpu.memory_space<vmem>>
      %dma_start3A_327 = arith.constant 0 : i32
      %dma_start3A_328 = tpu.memref_slice %arg3[%dma_start3A_327, %multiple_of3A_171] : memref<32x1000000xf32, #tpu.memory_space<hbm>> -> memref<32x128xf32, #tpu.memory_space<hbm>>
      tpu.enqueue_dma source(%dma_start3A_328 : memref<32x128xf32, #tpu.memory_space<hbm>>) target(%dma_start3A_326 : memref<32x128xf32, #tpu.memory_space<vmem>>) target_semaphore(%arg10 : memref<!tpu.dma_semaphore, #tpu.memory_space<semaphore_mem>>)
      %dma_start3A_329 = arith.constant 11 : i32
      %dma_start3A_330 = arith.constant 0 : i32
      %dma_start3A_331 = arith.constant 0 : i32
      %dma_start3A_332 = tpu.memref_slice %arg8[%dma_start3A_329, %dma_start3A_330, %dma_start3A_331] : memref<16x32x128xf32, #tpu.memory_space<vmem>> -> memref<1x32x128xf32, #tpu.memory_space<vmem>>
      %dma_start3A_333 = tpu.memref_squeeze %dma_start3A_332 : memref<1x32x128xf32, #tpu.memory_space<vmem>> -> memref<32x128xf32, #tpu.memory_space<vmem>>
      %dma_start3A_334 = arith.constant 0 : i32
      %dma_start3A_335 = tpu.memref_slice %arg3[%dma_start3A_334, %multiple_of3A_174] : memref<32x1000000xf32, #tpu.memory_space<hbm>> -> memref<32x128xf32, #tpu.memory_space<hbm>>
      %dma_start3A_336 = arith.constant 0 : i32
      %dma_start3A_337 = arith.constant 0 : i32
      %dma_start3A_338 = tpu.memref_slice %arg8[%dma_start3A_329, %dma_start3A_336, %dma_start3A_337] : memref<16x32x128xf32, #tpu.memory_space<vmem>> -> memref<1x32x128xf32, #tpu.memory_space<vmem>>
      %dma_start3A_339 = tpu.memref_squeeze %dma_start3A_338 : memref<1x32x128xf32, #tpu.memory_space<vmem>> -> memref<32x128xf32, #tpu.memory_space<vmem>>
      %dma_start3A_340 = arith.constant 0 : i32
      %dma_start3A_341 = tpu.memref_slice %arg3[%dma_start3A_340, %multiple_of3A_174] : memref<32x1000000xf32, #tpu.memory_space<hbm>> -> memref<32x128xf32, #tpu.memory_space<hbm>>
      tpu.enqueue_dma source(%dma_start3A_341 : memref<32x128xf32, #tpu.memory_space<hbm>>) target(%dma_start3A_339 : memref<32x128xf32, #tpu.memory_space<vmem>>) target_semaphore(%arg10 : memref<!tpu.dma_semaphore, #tpu.memory_space<semaphore_mem>>)
      %dma_start3A_342 = arith.constant 12 : i32
      %dma_start3A_343 = arith.constant 0 : i32
      %dma_start3A_344 = arith.constant 0 : i32
      %dma_start3A_345 = tpu.memref_slice %arg8[%dma_start3A_342, %dma_start3A_343, %dma_start3A_344] : memref<16x32x128xf32, #tpu.memory_space<vmem>> -> memref<1x32x128xf32, #tpu.memory_space<vmem>>
      %dma_start3A_346 = tpu.memref_squeeze %dma_start3A_345 : memref<1x32x128xf32, #tpu.memory_space<vmem>> -> memref<32x128xf32, #tpu.memory_space<vmem>>
      %dma_start3A_347 = arith.constant 0 : i32
      %dma_start3A_348 = tpu.memref_slice %arg3[%dma_start3A_347, %multiple_of3A_177] : memref<32x1000000xf32, #tpu.memory_space<hbm>> -> memref<32x128xf32, #tpu.memory_space<hbm>>
      %dma_start3A_349 = arith.constant 0 : i32
      %dma_start3A_350 = arith.constant 0 : i32
      %dma_start3A_351 = tpu.memref_slice %arg8[%dma_start3A_342, %dma_start3A_349, %dma_start3A_350] : memref<16x32x128xf32, #tpu.memory_space<vmem>> -> memref<1x32x128xf32, #tpu.memory_space<vmem>>
      %dma_start3A_352 = tpu.memref_squeeze %dma_start3A_351 : memref<1x32x128xf32, #tpu.memory_space<vmem>> -> memref<32x128xf32, #tpu.memory_space<vmem>>
      %dma_start3A_353 = arith.constant 0 : i32
      %dma_start3A_354 = tpu.memref_slice %arg3[%dma_start3A_353, %multiple_of3A_177] : memref<32x1000000xf32, #tpu.memory_space<hbm>> -> memref<32x128xf32, #tpu.memory_space<hbm>>
      tpu.enqueue_dma source(%dma_start3A_354 : memref<32x128xf32, #tpu.memory_space<hbm>>) target(%dma_start3A_352 : memref<32x128xf32, #tpu.memory_space<vmem>>) target_semaphore(%arg10 : memref<!tpu.dma_semaphore, #tpu.memory_space<semaphore_mem>>)
      %dma_start3A_355 = arith.constant 13 : i32
      %dma_start3A_356 = arith.constant 0 : i32
      %dma_start3A_357 = arith.constant 0 : i32
      %dma_start3A_358 = tpu.memref_slice %arg8[%dma_start3A_355, %dma_start3A_356, %dma_start3A_357] : memref<16x32x128xf32, #tpu.memory_space<vmem>> -> memref<1x32x128xf32, #tpu.memory_space<vmem>>
      %dma_start3A_359 = tpu.memref_squeeze %dma_start3A_358 : memref<1x32x128xf32, #tpu.memory_space<vmem>> -> memref<32x128xf32, #tpu.memory_space<vmem>>
      %dma_start3A_360 = arith.constant 0 : i32
      %dma_start3A_361 = tpu.memref_slice %arg3[%dma_start3A_360, %multiple_of3A_180] : memref<32x1000000xf32, #tpu.memory_space<hbm>> -> memref<32x128xf32, #tpu.memory_space<hbm>>
      %dma_start3A_362 = arith.constant 0 : i32
      %dma_start3A_363 = arith.constant 0 : i32
      %dma_start3A_364 = tpu.memref_slice %arg8[%dma_start3A_355, %dma_start3A_362, %dma_start3A_363] : memref<16x32x128xf32, #tpu.memory_space<vmem>> -> memref<1x32x128xf32, #tpu.memory_space<vmem>>
      %dma_start3A_365 = tpu.memref_squeeze %dma_start3A_364 : memref<1x32x128xf32, #tpu.memory_space<vmem>> -> memref<32x128xf32, #tpu.memory_space<vmem>>
      %dma_start3A_366 = arith.constant 0 : i32
      %dma_start3A_367 = tpu.memref_slice %arg3[%dma_start3A_366, %multiple_of3A_180] : memref<32x1000000xf32, #tpu.memory_space<hbm>> -> memref<32x128xf32, #tpu.memory_space<hbm>>
      tpu.enqueue_dma source(%dma_start3A_367 : memref<32x128xf32, #tpu.memory_space<hbm>>) target(%dma_start3A_365 : memref<32x128xf32, #tpu.memory_space<vmem>>) target_semaphore(%arg10 : memref<!tpu.dma_semaphore, #tpu.memory_space<semaphore_mem>>)
      %dma_start3A_368 = arith.constant 14 : i32
      %dma_start3A_369 = arith.constant 0 : i32
      %dma_start3A_370 = arith.constant 0 : i32
      %dma_start3A_371 = tpu.memref_slice %arg8[%dma_start3A_368, %dma_start3A_369, %dma_start3A_370] : memref<16x32x128xf32, #tpu.memory_space<vmem>> -> memref<1x32x128xf32, #tpu.memory_space<vmem>>
      %dma_start3A_372 = tpu.memref_squeeze %dma_start3A_371 : memref<1x32x128xf32, #tpu.memory_space<vmem>> -> memref<32x128xf32, #tpu.memory_space<vmem>>
      %dma_start3A_373 = arith.constant 0 : i32
      %dma_start3A_374 = tpu.memref_slice %arg3[%dma_start3A_373, %multiple_of3A_183] : memref<32x1000000xf32, #tpu.memory_space<hbm>> -> memref<32x128xf32, #tpu.memory_space<hbm>>
      %dma_start3A_375 = arith.constant 0 : i32
      %dma_start3A_376 = arith.constant 0 : i32
      %dma_start3A_377 = tpu.memref_slice %arg8[%dma_start3A_368, %dma_start3A_375, %dma_start3A_376] : memref<16x32x128xf32, #tpu.memory_space<vmem>> -> memref<1x32x128xf32, #tpu.memory_space<vmem>>
      %dma_start3A_378 = tpu.memref_squeeze %dma_start3A_377 : memref<1x32x128xf32, #tpu.memory_space<vmem>> -> memref<32x128xf32, #tpu.memory_space<vmem>>
      %dma_start3A_379 = arith.constant 0 : i32
      %dma_start3A_380 = tpu.memref_slice %arg3[%dma_start3A_379, %multiple_of3A_183] : memref<32x1000000xf32, #tpu.memory_space<hbm>> -> memref<32x128xf32, #tpu.memory_space<hbm>>
      tpu.enqueue_dma source(%dma_start3A_380 : memref<32x128xf32, #tpu.memory_space<hbm>>) target(%dma_start3A_378 : memref<32x128xf32, #tpu.memory_space<vmem>>) target_semaphore(%arg10 : memref<!tpu.dma_semaphore, #tpu.memory_space<semaphore_mem>>)
      %dma_start3A_381 = arith.constant 15 : i32
      %dma_start3A_382 = arith.constant 0 : i32
      %dma_start3A_383 = arith.constant 0 : i32
      %dma_start3A_384 = tpu.memref_slice %arg8[%dma_start3A_381, %dma_start3A_382, %dma_start3A_383] : memref<16x32x128xf32, #tpu.memory_space<vmem>> -> memref<1x32x128xf32, #tpu.memory_space<vmem>>
      %dma_start3A_385 = tpu.memref_squeeze %dma_start3A_384 : memref<1x32x128xf32, #tpu.memory_space<vmem>> -> memref<32x128xf32, #tpu.memory_space<vmem>>
      %dma_start3A_386 = arith.constant 0 : i32
      %dma_start3A_387 = tpu.memref_slice %arg3[%dma_start3A_386, %multiple_of3A_186] : memref<32x1000000xf32, #tpu.memory_space<hbm>> -> memref<32x128xf32, #tpu.memory_space<hbm>>
      %dma_start3A_388 = arith.constant 0 : i32
      %dma_start3A_389 = arith.constant 0 : i32
      %dma_start3A_390 = tpu.memref_slice %arg8[%dma_start3A_381, %dma_start3A_388, %dma_start3A_389] : memref<16x32x128xf32, #tpu.memory_space<vmem>> -> memref<1x32x128xf32, #tpu.memory_space<vmem>>
      %dma_start3A_391 = tpu.memref_squeeze %dma_start3A_390 : memref<1x32x128xf32, #tpu.memory_space<vmem>> -> memref<32x128xf32, #tpu.memory_space<vmem>>
      %dma_start3A_392 = arith.constant 0 : i32
      %dma_start3A_393 = tpu.memref_slice %arg3[%dma_start3A_392, %multiple_of3A_186] : memref<32x1000000xf32, #tpu.memory_space<hbm>> -> memref<32x128xf32, #tpu.memory_space<hbm>>
      tpu.enqueue_dma source(%dma_start3A_393 : memref<32x128xf32, #tpu.memory_space<hbm>>) target(%dma_start3A_391 : memref<32x128xf32, #tpu.memory_space<vmem>>) target_semaphore(%arg10 : memref<!tpu.dma_semaphore, #tpu.memory_space<semaphore_mem>>)
      %dma_wait3A = arith.constant 0 : i32
      %dma_wait3A_394 = arith.constant 0 : i32
      %dma_wait3A_395 = arith.constant 0 : i32
      %dma_wait3A_396 = tpu.memref_slice %arg8[%dma_wait3A, %dma_wait3A_394, %dma_wait3A_395] : memref<16x32x128xf32, #tpu.memory_space<vmem>> -> memref<1x32x128xf32, #tpu.memory_space<vmem>>
      %dma_wait3A_397 = tpu.memref_squeeze %dma_wait3A_396 : memref<1x32x128xf32, #tpu.memory_space<vmem>> -> memref<32x128xf32, #tpu.memory_space<vmem>>
      %dma_wait3A_398 = arith.constant 0 : i32
      %dma_wait3A_399 = tpu.memref_slice %arg3[%dma_wait3A_398, %multiple_of3A] : memref<32x1000000xf32, #tpu.memory_space<hbm>> -> memref<32x128xf32, #tpu.memory_space<hbm>>
      %dma_wait3A_400 = arith.constant 0 : i32
      %dma_wait3A_401 = arith.constant 0 : i32
      %dma_wait3A_402 = tpu.memref_slice %arg8[%dma_wait3A, %dma_wait3A_400, %dma_wait3A_401] : memref<16x32x128xf32, #tpu.memory_space<vmem>> -> memref<1x32x128xf32, #tpu.memory_space<vmem>>
      %dma_wait3A_403 = tpu.memref_squeeze %dma_wait3A_402 : memref<1x32x128xf32, #tpu.memory_space<vmem>> -> memref<32x128xf32, #tpu.memory_space<vmem>>
      %dma_wait3A_404 = arith.constant 0 : i32
      %dma_wait3A_405 = tpu.memref_slice %arg3[%dma_wait3A_404, %multiple_of3A] : memref<32x1000000xf32, #tpu.memory_space<hbm>> -> memref<32x128xf32, #tpu.memory_space<hbm>>
      tpu.wait_dma2 semaphore(%arg10 : memref<!tpu.dma_semaphore, #tpu.memory_space<semaphore_mem>>) src(%dma_wait3A_405 : memref<32x128xf32, #tpu.memory_space<hbm>>) dst(%dma_wait3A_403 : memref<32x128xf32, #tpu.memory_space<vmem>>)
      %dma_wait3A_406 = arith.constant 1 : i32
      %dma_wait3A_407 = arith.constant 0 : i32
      %dma_wait3A_408 = arith.constant 0 : i32
      %dma_wait3A_409 = tpu.memref_slice %arg8[%dma_wait3A_406, %dma_wait3A_407, %dma_wait3A_408] : memref<16x32x128xf32, #tpu.memory_space<vmem>> -> memref<1x32x128xf32, #tpu.memory_space<vmem>>
      %dma_wait3A_410 = tpu.memref_squeeze %dma_wait3A_409 : memref<1x32x128xf32, #tpu.memory_space<vmem>> -> memref<32x128xf32, #tpu.memory_space<vmem>>
      %dma_wait3A_411 = arith.constant 0 : i32
      %dma_wait3A_412 = tpu.memref_slice %arg3[%dma_wait3A_411, %multiple_of3A_144] : memref<32x1000000xf32, #tpu.memory_space<hbm>> -> memref<32x128xf32, #tpu.memory_space<hbm>>
      %dma_wait3A_413 = arith.constant 0 : i32
      %dma_wait3A_414 = arith.constant 0 : i32
      %dma_wait3A_415 = tpu.memref_slice %arg8[%dma_wait3A_406, %dma_wait3A_413, %dma_wait3A_414] : memref<16x32x128xf32, #tpu.memory_space<vmem>> -> memref<1x32x128xf32, #tpu.memory_space<vmem>>
      %dma_wait3A_416 = tpu.memref_squeeze %dma_wait3A_415 : memref<1x32x128xf32, #tpu.memory_space<vmem>> -> memref<32x128xf32, #tpu.memory_space<vmem>>
      %dma_wait3A_417 = arith.constant 0 : i32
      %dma_wait3A_418 = tpu.memref_slice %arg3[%dma_wait3A_417, %multiple_of3A_144] : memref<32x1000000xf32, #tpu.memory_space<hbm>> -> memref<32x128xf32, #tpu.memory_space<hbm>>
      tpu.wait_dma2 semaphore(%arg10 : memref<!tpu.dma_semaphore, #tpu.memory_space<semaphore_mem>>) src(%dma_wait3A_418 : memref<32x128xf32, #tpu.memory_space<hbm>>) dst(%dma_wait3A_416 : memref<32x128xf32, #tpu.memory_space<vmem>>)
      %dma_wait3A_419 = arith.constant 2 : i32
      %dma_wait3A_420 = arith.constant 0 : i32
      %dma_wait3A_421 = arith.constant 0 : i32
      %dma_wait3A_422 = tpu.memref_slice %arg8[%dma_wait3A_419, %dma_wait3A_420, %dma_wait3A_421] : memref<16x32x128xf32, #tpu.memory_space<vmem>> -> memref<1x32x128xf32, #tpu.memory_space<vmem>>
      %dma_wait3A_423 = tpu.memref_squeeze %dma_wait3A_422 : memref<1x32x128xf32, #tpu.memory_space<vmem>> -> memref<32x128xf32, #tpu.memory_space<vmem>>
      %dma_wait3A_424 = arith.constant 0 : i32
      %dma_wait3A_425 = tpu.memref_slice %arg3[%dma_wait3A_424, %multiple_of3A_147] : memref<32x1000000xf32, #tpu.memory_space<hbm>> -> memref<32x128xf32, #tpu.memory_space<hbm>>
      %dma_wait3A_426 = arith.constant 0 : i32
      %dma_wait3A_427 = arith.constant 0 : i32
      %dma_wait3A_428 = tpu.memref_slice %arg8[%dma_wait3A_419, %dma_wait3A_426, %dma_wait3A_427] : memref<16x32x128xf32, #tpu.memory_space<vmem>> -> memref<1x32x128xf32, #tpu.memory_space<vmem>>
      %dma_wait3A_429 = tpu.memref_squeeze %dma_wait3A_428 : memref<1x32x128xf32, #tpu.memory_space<vmem>> -> memref<32x128xf32, #tpu.memory_space<vmem>>
      %dma_wait3A_430 = arith.constant 0 : i32
      %dma_wait3A_431 = tpu.memref_slice %arg3[%dma_wait3A_430, %multiple_of3A_147] : memref<32x1000000xf32, #tpu.memory_space<hbm>> -> memref<32x128xf32, #tpu.memory_space<hbm>>
      tpu.wait_dma2 semaphore(%arg10 : memref<!tpu.dma_semaphore, #tpu.memory_space<semaphore_mem>>) src(%dma_wait3A_431 : memref<32x128xf32, #tpu.memory_space<hbm>>) dst(%dma_wait3A_429 : memref<32x128xf32, #tpu.memory_space<vmem>>)
      %dma_wait3A_432 = arith.constant 3 : i32
      %dma_wait3A_433 = arith.constant 0 : i32
      %dma_wait3A_434 = arith.constant 0 : i32
      %dma_wait3A_435 = tpu.memref_slice %arg8[%dma_wait3A_432, %dma_wait3A_433, %dma_wait3A_434] : memref<16x32x128xf32, #tpu.memory_space<vmem>> -> memref<1x32x128xf32, #tpu.memory_space<vmem>>
      %dma_wait3A_436 = tpu.memref_squeeze %dma_wait3A_435 : memref<1x32x128xf32, #tpu.memory_space<vmem>> -> memref<32x128xf32, #tpu.memory_space<vmem>>
      %dma_wait3A_437 = arith.constant 0 : i32
      %dma_wait3A_438 = tpu.memref_slice %arg3[%dma_wait3A_437, %multiple_of3A_150] : memref<32x1000000xf32, #tpu.memory_space<hbm>> -> memref<32x128xf32, #tpu.memory_space<hbm>>
      %dma_wait3A_439 = arith.constant 0 : i32
      %dma_wait3A_440 = arith.constant 0 : i32
      %dma_wait3A_441 = tpu.memref_slice %arg8[%dma_wait3A_432, %dma_wait3A_439, %dma_wait3A_440] : memref<16x32x128xf32, #tpu.memory_space<vmem>> -> memref<1x32x128xf32, #tpu.memory_space<vmem>>
      %dma_wait3A_442 = tpu.memref_squeeze %dma_wait3A_441 : memref<1x32x128xf32, #tpu.memory_space<vmem>> -> memref<32x128xf32, #tpu.memory_space<vmem>>
      %dma_wait3A_443 = arith.constant 0 : i32
      %dma_wait3A_444 = tpu.memref_slice %arg3[%dma_wait3A_443, %multiple_of3A_150] : memref<32x1000000xf32, #tpu.memory_space<hbm>> -> memref<32x128xf32, #tpu.memory_space<hbm>>
      tpu.wait_dma2 semaphore(%arg10 : memref<!tpu.dma_semaphore, #tpu.memory_space<semaphore_mem>>) src(%dma_wait3A_444 : memref<32x128xf32, #tpu.memory_space<hbm>>) dst(%dma_wait3A_442 : memref<32x128xf32, #tpu.memory_space<vmem>>)
      %dma_wait3A_445 = arith.constant 4 : i32
      %dma_wait3A_446 = arith.constant 0 : i32
      %dma_wait3A_447 = arith.constant 0 : i32
      %dma_wait3A_448 = tpu.memref_slice %arg8[%dma_wait3A_445, %dma_wait3A_446, %dma_wait3A_447] : memref<16x32x128xf32, #tpu.memory_space<vmem>> -> memref<1x32x128xf32, #tpu.memory_space<vmem>>
      %dma_wait3A_449 = tpu.memref_squeeze %dma_wait3A_448 : memref<1x32x128xf32, #tpu.memory_space<vmem>> -> memref<32x128xf32, #tpu.memory_space<vmem>>
      %dma_wait3A_450 = arith.constant 0 : i32
      %dma_wait3A_451 = tpu.memref_slice %arg3[%dma_wait3A_450, %multiple_of3A_153] : memref<32x1000000xf32, #tpu.memory_space<hbm>> -> memref<32x128xf32, #tpu.memory_space<hbm>>
      %dma_wait3A_452 = arith.constant 0 : i32
      %dma_wait3A_453 = arith.constant 0 : i32
      %dma_wait3A_454 = tpu.memref_slice %arg8[%dma_wait3A_445, %dma_wait3A_452, %dma_wait3A_453] : memref<16x32x128xf32, #tpu.memory_space<vmem>> -> memref<1x32x128xf32, #tpu.memory_space<vmem>>
      %dma_wait3A_455 = tpu.memref_squeeze %dma_wait3A_454 : memref<1x32x128xf32, #tpu.memory_space<vmem>> -> memref<32x128xf32, #tpu.memory_space<vmem>>
      %dma_wait3A_456 = arith.constant 0 : i32
      %dma_wait3A_457 = tpu.memref_slice %arg3[%dma_wait3A_456, %multiple_of3A_153] : memref<32x1000000xf32, #tpu.memory_space<hbm>> -> memref<32x128xf32, #tpu.memory_space<hbm>>
      tpu.wait_dma2 semaphore(%arg10 : memref<!tpu.dma_semaphore, #tpu.memory_space<semaphore_mem>>) src(%dma_wait3A_457 : memref<32x128xf32, #tpu.memory_space<hbm>>) dst(%dma_wait3A_455 : memref<32x128xf32, #tpu.memory_space<vmem>>)
      %dma_wait3A_458 = arith.constant 5 : i32
      %dma_wait3A_459 = arith.constant 0 : i32
      %dma_wait3A_460 = arith.constant 0 : i32
      %dma_wait3A_461 = tpu.memref_slice %arg8[%dma_wait3A_458, %dma_wait3A_459, %dma_wait3A_460] : memref<16x32x128xf32, #tpu.memory_space<vmem>> -> memref<1x32x128xf32, #tpu.memory_space<vmem>>
      %dma_wait3A_462 = tpu.memref_squeeze %dma_wait3A_461 : memref<1x32x128xf32, #tpu.memory_space<vmem>> -> memref<32x128xf32, #tpu.memory_space<vmem>>
      %dma_wait3A_463 = arith.constant 0 : i32
      %dma_wait3A_464 = tpu.memref_slice %arg3[%dma_wait3A_463, %multiple_of3A_156] : memref<32x1000000xf32, #tpu.memory_space<hbm>> -> memref<32x128xf32, #tpu.memory_space<hbm>>
      %dma_wait3A_465 = arith.constant 0 : i32
      %dma_wait3A_466 = arith.constant 0 : i32
      %dma_wait3A_467 = tpu.memref_slice %arg8[%dma_wait3A_458, %dma_wait3A_465, %dma_wait3A_466] : memref<16x32x128xf32, #tpu.memory_space<vmem>> -> memref<1x32x128xf32, #tpu.memory_space<vmem>>
      %dma_wait3A_468 = tpu.memref_squeeze %dma_wait3A_467 : memref<1x32x128xf32, #tpu.memory_space<vmem>> -> memref<32x128xf32, #tpu.memory_space<vmem>>
      %dma_wait3A_469 = arith.constant 0 : i32
      %dma_wait3A_470 = tpu.memref_slice %arg3[%dma_wait3A_469, %multiple_of3A_156] : memref<32x1000000xf32, #tpu.memory_space<hbm>> -> memref<32x128xf32, #tpu.memory_space<hbm>>
      tpu.wait_dma2 semaphore(%arg10 : memref<!tpu.dma_semaphore, #tpu.memory_space<semaphore_mem>>) src(%dma_wait3A_470 : memref<32x128xf32, #tpu.memory_space<hbm>>) dst(%dma_wait3A_468 : memref<32x128xf32, #tpu.memory_space<vmem>>)
      %dma_wait3A_471 = arith.constant 6 : i32
      %dma_wait3A_472 = arith.constant 0 : i32
      %dma_wait3A_473 = arith.constant 0 : i32
      %dma_wait3A_474 = tpu.memref_slice %arg8[%dma_wait3A_471, %dma_wait3A_472, %dma_wait3A_473] : memref<16x32x128xf32, #tpu.memory_space<vmem>> -> memref<1x32x128xf32, #tpu.memory_space<vmem>>
      %dma_wait3A_475 = tpu.memref_squeeze %dma_wait3A_474 : memref<1x32x128xf32, #tpu.memory_space<vmem>> -> memref<32x128xf32, #tpu.memory_space<vmem>>
      %dma_wait3A_476 = arith.constant 0 : i32
      %dma_wait3A_477 = tpu.memref_slice %arg3[%dma_wait3A_476, %multiple_of3A_159] : memref<32x1000000xf32, #tpu.memory_space<hbm>> -> memref<32x128xf32, #tpu.memory_space<hbm>>
      %dma_wait3A_478 = arith.constant 0 : i32
      %dma_wait3A_479 = arith.constant 0 : i32
      %dma_wait3A_480 = tpu.memref_slice %arg8[%dma_wait3A_471, %dma_wait3A_478, %dma_wait3A_479] : memref<16x32x128xf32, #tpu.memory_space<vmem>> -> memref<1x32x128xf32, #tpu.memory_space<vmem>>
      %dma_wait3A_481 = tpu.memref_squeeze %dma_wait3A_480 : memref<1x32x128xf32, #tpu.memory_space<vmem>> -> memref<32x128xf32, #tpu.memory_space<vmem>>
      %dma_wait3A_482 = arith.constant 0 : i32
      %dma_wait3A_483 = tpu.memref_slice %arg3[%dma_wait3A_482, %multiple_of3A_159] : memref<32x1000000xf32, #tpu.memory_space<hbm>> -> memref<32x128xf32, #tpu.memory_space<hbm>>
      tpu.wait_dma2 semaphore(%arg10 : memref<!tpu.dma_semaphore, #tpu.memory_space<semaphore_mem>>) src(%dma_wait3A_483 : memref<32x128xf32, #tpu.memory_space<hbm>>) dst(%dma_wait3A_481 : memref<32x128xf32, #tpu.memory_space<vmem>>)
      %dma_wait3A_484 = arith.constant 7 : i32
      %dma_wait3A_485 = arith.constant 0 : i32
      %dma_wait3A_486 = arith.constant 0 : i32
      %dma_wait3A_487 = tpu.memref_slice %arg8[%dma_wait3A_484, %dma_wait3A_485, %dma_wait3A_486] : memref<16x32x128xf32, #tpu.memory_space<vmem>> -> memref<1x32x128xf32, #tpu.memory_space<vmem>>
      %dma_wait3A_488 = tpu.memref_squeeze %dma_wait3A_487 : memref<1x32x128xf32, #tpu.memory_space<vmem>> -> memref<32x128xf32, #tpu.memory_space<vmem>>
      %dma_wait3A_489 = arith.constant 0 : i32
      %dma_wait3A_490 = tpu.memref_slice %arg3[%dma_wait3A_489, %multiple_of3A_162] : memref<32x1000000xf32, #tpu.memory_space<hbm>> -> memref<32x128xf32, #tpu.memory_space<hbm>>
      %dma_wait3A_491 = arith.constant 0 : i32
      %dma_wait3A_492 = arith.constant 0 : i32
      %dma_wait3A_493 = tpu.memref_slice %arg8[%dma_wait3A_484, %dma_wait3A_491, %dma_wait3A_492] : memref<16x32x128xf32, #tpu.memory_space<vmem>> -> memref<1x32x128xf32, #tpu.memory_space<vmem>>
      %dma_wait3A_494 = tpu.memref_squeeze %dma_wait3A_493 : memref<1x32x128xf32, #tpu.memory_space<vmem>> -> memref<32x128xf32, #tpu.memory_space<vmem>>
      %dma_wait3A_495 = arith.constant 0 : i32
      %dma_wait3A_496 = tpu.memref_slice %arg3[%dma_wait3A_495, %multiple_of3A_162] : memref<32x1000000xf32, #tpu.memory_space<hbm>> -> memref<32x128xf32, #tpu.memory_space<hbm>>
      tpu.wait_dma2 semaphore(%arg10 : memref<!tpu.dma_semaphore, #tpu.memory_space<semaphore_mem>>) src(%dma_wait3A_496 : memref<32x128xf32, #tpu.memory_space<hbm>>) dst(%dma_wait3A_494 : memref<32x128xf32, #tpu.memory_space<vmem>>)
      %dma_wait3A_497 = arith.constant 8 : i32
      %dma_wait3A_498 = arith.constant 0 : i32
      %dma_wait3A_499 = arith.constant 0 : i32
      %dma_wait3A_500 = tpu.memref_slice %arg8[%dma_wait3A_497, %dma_wait3A_498, %dma_wait3A_499] : memref<16x32x128xf32, #tpu.memory_space<vmem>> -> memref<1x32x128xf32, #tpu.memory_space<vmem>>
      %dma_wait3A_501 = tpu.memref_squeeze %dma_wait3A_500 : memref<1x32x128xf32, #tpu.memory_space<vmem>> -> memref<32x128xf32, #tpu.memory_space<vmem>>
      %dma_wait3A_502 = arith.constant 0 : i32
      %dma_wait3A_503 = tpu.memref_slice %arg3[%dma_wait3A_502, %multiple_of3A_165] : memref<32x1000000xf32, #tpu.memory_space<hbm>> -> memref<32x128xf32, #tpu.memory_space<hbm>>
      %dma_wait3A_504 = arith.constant 0 : i32
      %dma_wait3A_505 = arith.constant 0 : i32
      %dma_wait3A_506 = tpu.memref_slice %arg8[%dma_wait3A_497, %dma_wait3A_504, %dma_wait3A_505] : memref<16x32x128xf32, #tpu.memory_space<vmem>> -> memref<1x32x128xf32, #tpu.memory_space<vmem>>
      %dma_wait3A_507 = tpu.memref_squeeze %dma_wait3A_506 : memref<1x32x128xf32, #tpu.memory_space<vmem>> -> memref<32x128xf32, #tpu.memory_space<vmem>>
      %dma_wait3A_508 = arith.constant 0 : i32
      %dma_wait3A_509 = tpu.memref_slice %arg3[%dma_wait3A_508, %multiple_of3A_165] : memref<32x1000000xf32, #tpu.memory_space<hbm>> -> memref<32x128xf32, #tpu.memory_space<hbm>>
      tpu.wait_dma2 semaphore(%arg10 : memref<!tpu.dma_semaphore, #tpu.memory_space<semaphore_mem>>) src(%dma_wait3A_509 : memref<32x128xf32, #tpu.memory_space<hbm>>) dst(%dma_wait3A_507 : memref<32x128xf32, #tpu.memory_space<vmem>>)
      %dma_wait3A_510 = arith.constant 9 : i32
      %dma_wait3A_511 = arith.constant 0 : i32
      %dma_wait3A_512 = arith.constant 0 : i32
      %dma_wait3A_513 = tpu.memref_slice %arg8[%dma_wait3A_510, %dma_wait3A_511, %dma_wait3A_512] : memref<16x32x128xf32, #tpu.memory_space<vmem>> -> memref<1x32x128xf32, #tpu.memory_space<vmem>>
      %dma_wait3A_514 = tpu.memref_squeeze %dma_wait3A_513 : memref<1x32x128xf32, #tpu.memory_space<vmem>> -> memref<32x128xf32, #tpu.memory_space<vmem>>
      %dma_wait3A_515 = arith.constant 0 : i32
      %dma_wait3A_516 = tpu.memref_slice %arg3[%dma_wait3A_515, %multiple_of3A_168] : memref<32x1000000xf32, #tpu.memory_space<hbm>> -> memref<32x128xf32, #tpu.memory_space<hbm>>
      %dma_wait3A_517 = arith.constant 0 : i32
      %dma_wait3A_518 = arith.constant 0 : i32
      %dma_wait3A_519 = tpu.memref_slice %arg8[%dma_wait3A_510, %dma_wait3A_517, %dma_wait3A_518] : memref<16x32x128xf32, #tpu.memory_space<vmem>> -> memref<1x32x128xf32, #tpu.memory_space<vmem>>
      %dma_wait3A_520 = tpu.memref_squeeze %dma_wait3A_519 : memref<1x32x128xf32, #tpu.memory_space<vmem>> -> memref<32x128xf32, #tpu.memory_space<vmem>>
      %dma_wait3A_521 = arith.constant 0 : i32
      %dma_wait3A_522 = tpu.memref_slice %arg3[%dma_wait3A_521, %multiple_of3A_168] : memref<32x1000000xf32, #tpu.memory_space<hbm>> -> memref<32x128xf32, #tpu.memory_space<hbm>>
      tpu.wait_dma2 semaphore(%arg10 : memref<!tpu.dma_semaphore, #tpu.memory_space<semaphore_mem>>) src(%dma_wait3A_522 : memref<32x128xf32, #tpu.memory_space<hbm>>) dst(%dma_wait3A_520 : memref<32x128xf32, #tpu.memory_space<vmem>>)
      %dma_wait3A_523 = arith.constant 10 : i32
      %dma_wait3A_524 = arith.constant 0 : i32
      %dma_wait3A_525 = arith.constant 0 : i32
      %dma_wait3A_526 = tpu.memref_slice %arg8[%dma_wait3A_523, %dma_wait3A_524, %dma_wait3A_525] : memref<16x32x128xf32, #tpu.memory_space<vmem>> -> memref<1x32x128xf32, #tpu.memory_space<vmem>>
      %dma_wait3A_527 = tpu.memref_squeeze %dma_wait3A_526 : memref<1x32x128xf32, #tpu.memory_space<vmem>> -> memref<32x128xf32, #tpu.memory_space<vmem>>
      %dma_wait3A_528 = arith.constant 0 : i32
      %dma_wait3A_529 = tpu.memref_slice %arg3[%dma_wait3A_528, %multiple_of3A_171] : memref<32x1000000xf32, #tpu.memory_space<hbm>> -> memref<32x128xf32, #tpu.memory_space<hbm>>
      %dma_wait3A_530 = arith.constant 0 : i32
      %dma_wait3A_531 = arith.constant 0 : i32
      %dma_wait3A_532 = tpu.memref_slice %arg8[%dma_wait3A_523, %dma_wait3A_530, %dma_wait3A_531] : memref<16x32x128xf32, #tpu.memory_space<vmem>> -> memref<1x32x128xf32, #tpu.memory_space<vmem>>
      %dma_wait3A_533 = tpu.memref_squeeze %dma_wait3A_532 : memref<1x32x128xf32, #tpu.memory_space<vmem>> -> memref<32x128xf32, #tpu.memory_space<vmem>>
      %dma_wait3A_534 = arith.constant 0 : i32
      %dma_wait3A_535 = tpu.memref_slice %arg3[%dma_wait3A_534, %multiple_of3A_171] : memref<32x1000000xf32, #tpu.memory_space<hbm>> -> memref<32x128xf32, #tpu.memory_space<hbm>>
      tpu.wait_dma2 semaphore(%arg10 : memref<!tpu.dma_semaphore, #tpu.memory_space<semaphore_mem>>) src(%dma_wait3A_535 : memref<32x128xf32, #tpu.memory_space<hbm>>) dst(%dma_wait3A_533 : memref<32x128xf32, #tpu.memory_space<vmem>>)
      %dma_wait3A_536 = arith.constant 11 : i32
      %dma_wait3A_537 = arith.constant 0 : i32
      %dma_wait3A_538 = arith.constant 0 : i32
      %dma_wait3A_539 = tpu.memref_slice %arg8[%dma_wait3A_536, %dma_wait3A_537, %dma_wait3A_538] : memref<16x32x128xf32, #tpu.memory_space<vmem>> -> memref<1x32x128xf32, #tpu.memory_space<vmem>>
      %dma_wait3A_540 = tpu.memref_squeeze %dma_wait3A_539 : memref<1x32x128xf32, #tpu.memory_space<vmem>> -> memref<32x128xf32, #tpu.memory_space<vmem>>
      %dma_wait3A_541 = arith.constant 0 : i32
      %dma_wait3A_542 = tpu.memref_slice %arg3[%dma_wait3A_541, %multiple_of3A_174] : memref<32x1000000xf32, #tpu.memory_space<hbm>> -> memref<32x128xf32, #tpu.memory_space<hbm>>
      %dma_wait3A_543 = arith.constant 0 : i32
      %dma_wait3A_544 = arith.constant 0 : i32
      %dma_wait3A_545 = tpu.memref_slice %arg8[%dma_wait3A_536, %dma_wait3A_543, %dma_wait3A_544] : memref<16x32x128xf32, #tpu.memory_space<vmem>> -> memref<1x32x128xf32, #tpu.memory_space<vmem>>
      %dma_wait3A_546 = tpu.memref_squeeze %dma_wait3A_545 : memref<1x32x128xf32, #tpu.memory_space<vmem>> -> memref<32x128xf32, #tpu.memory_space<vmem>>
      %dma_wait3A_547 = arith.constant 0 : i32
      %dma_wait3A_548 = tpu.memref_slice %arg3[%dma_wait3A_547, %multiple_of3A_174] : memref<32x1000000xf32, #tpu.memory_space<hbm>> -> memref<32x128xf32, #tpu.memory_space<hbm>>
      tpu.wait_dma2 semaphore(%arg10 : memref<!tpu.dma_semaphore, #tpu.memory_space<semaphore_mem>>) src(%dma_wait3A_548 : memref<32x128xf32, #tpu.memory_space<hbm>>) dst(%dma_wait3A_546 : memref<32x128xf32, #tpu.memory_space<vmem>>)
      %dma_wait3A_549 = arith.constant 12 : i32
      %dma_wait3A_550 = arith.constant 0 : i32
      %dma_wait3A_551 = arith.constant 0 : i32
      %dma_wait3A_552 = tpu.memref_slice %arg8[%dma_wait3A_549, %dma_wait3A_550, %dma_wait3A_551] : memref<16x32x128xf32, #tpu.memory_space<vmem>> -> memref<1x32x128xf32, #tpu.memory_space<vmem>>
      %dma_wait3A_553 = tpu.memref_squeeze %dma_wait3A_552 : memref<1x32x128xf32, #tpu.memory_space<vmem>> -> memref<32x128xf32, #tpu.memory_space<vmem>>
      %dma_wait3A_554 = arith.constant 0 : i32
      %dma_wait3A_555 = tpu.memref_slice %arg3[%dma_wait3A_554, %multiple_of3A_177] : memref<32x1000000xf32, #tpu.memory_space<hbm>> -> memref<32x128xf32, #tpu.memory_space<hbm>>
      %dma_wait3A_556 = arith.constant 0 : i32
      %dma_wait3A_557 = arith.constant 0 : i32
      %dma_wait3A_558 = tpu.memref_slice %arg8[%dma_wait3A_549, %dma_wait3A_556, %dma_wait3A_557] : memref<16x32x128xf32, #tpu.memory_space<vmem>> -> memref<1x32x128xf32, #tpu.memory_space<vmem>>
      %dma_wait3A_559 = tpu.memref_squeeze %dma_wait3A_558 : memref<1x32x128xf32, #tpu.memory_space<vmem>> -> memref<32x128xf32, #tpu.memory_space<vmem>>
      %dma_wait3A_560 = arith.constant 0 : i32
      %dma_wait3A_561 = tpu.memref_slice %arg3[%dma_wait3A_560, %multiple_of3A_177] : memref<32x1000000xf32, #tpu.memory_space<hbm>> -> memref<32x128xf32, #tpu.memory_space<hbm>>
      tpu.wait_dma2 semaphore(%arg10 : memref<!tpu.dma_semaphore, #tpu.memory_space<semaphore_mem>>) src(%dma_wait3A_561 : memref<32x128xf32, #tpu.memory_space<hbm>>) dst(%dma_wait3A_559 : memref<32x128xf32, #tpu.memory_space<vmem>>)
      %dma_wait3A_562 = arith.constant 13 : i32
      %dma_wait3A_563 = arith.constant 0 : i32
      %dma_wait3A_564 = arith.constant 0 : i32
      %dma_wait3A_565 = tpu.memref_slice %arg8[%dma_wait3A_562, %dma_wait3A_563, %dma_wait3A_564] : memref<16x32x128xf32, #tpu.memory_space<vmem>> -> memref<1x32x128xf32, #tpu.memory_space<vmem>>
      %dma_wait3A_566 = tpu.memref_squeeze %dma_wait3A_565 : memref<1x32x128xf32, #tpu.memory_space<vmem>> -> memref<32x128xf32, #tpu.memory_space<vmem>>
      %dma_wait3A_567 = arith.constant 0 : i32
      %dma_wait3A_568 = tpu.memref_slice %arg3[%dma_wait3A_567, %multiple_of3A_180] : memref<32x1000000xf32, #tpu.memory_space<hbm>> -> memref<32x128xf32, #tpu.memory_space<hbm>>
      %dma_wait3A_569 = arith.constant 0 : i32
      %dma_wait3A_570 = arith.constant 0 : i32
      %dma_wait3A_571 = tpu.memref_slice %arg8[%dma_wait3A_562, %dma_wait3A_569, %dma_wait3A_570] : memref<16x32x128xf32, #tpu.memory_space<vmem>> -> memref<1x32x128xf32, #tpu.memory_space<vmem>>
      %dma_wait3A_572 = tpu.memref_squeeze %dma_wait3A_571 : memref<1x32x128xf32, #tpu.memory_space<vmem>> -> memref<32x128xf32, #tpu.memory_space<vmem>>
      %dma_wait3A_573 = arith.constant 0 : i32
      %dma_wait3A_574 = tpu.memref_slice %arg3[%dma_wait3A_573, %multiple_of3A_180] : memref<32x1000000xf32, #tpu.memory_space<hbm>> -> memref<32x128xf32, #tpu.memory_space<hbm>>
      tpu.wait_dma2 semaphore(%arg10 : memref<!tpu.dma_semaphore, #tpu.memory_space<semaphore_mem>>) src(%dma_wait3A_574 : memref<32x128xf32, #tpu.memory_space<hbm>>) dst(%dma_wait3A_572 : memref<32x128xf32, #tpu.memory_space<vmem>>)
      %dma_wait3A_575 = arith.constant 14 : i32
      %dma_wait3A_576 = arith.constant 0 : i32
      %dma_wait3A_577 = arith.constant 0 : i32
      %dma_wait3A_578 = tpu.memref_slice %arg8[%dma_wait3A_575, %dma_wait3A_576, %dma_wait3A_577] : memref<16x32x128xf32, #tpu.memory_space<vmem>> -> memref<1x32x128xf32, #tpu.memory_space<vmem>>
      %dma_wait3A_579 = tpu.memref_squeeze %dma_wait3A_578 : memref<1x32x128xf32, #tpu.memory_space<vmem>> -> memref<32x128xf32, #tpu.memory_space<vmem>>
      %dma_wait3A_580 = arith.constant 0 : i32
      %dma_wait3A_581 = tpu.memref_slice %arg3[%dma_wait3A_580, %multiple_of3A_183] : memref<32x1000000xf32, #tpu.memory_space<hbm>> -> memref<32x128xf32, #tpu.memory_space<hbm>>
      %dma_wait3A_582 = arith.constant 0 : i32
      %dma_wait3A_583 = arith.constant 0 : i32
      %dma_wait3A_584 = tpu.memref_slice %arg8[%dma_wait3A_575, %dma_wait3A_582, %dma_wait3A_583] : memref<16x32x128xf32, #tpu.memory_space<vmem>> -> memref<1x32x128xf32, #tpu.memory_space<vmem>>
      %dma_wait3A_585 = tpu.memref_squeeze %dma_wait3A_584 : memref<1x32x128xf32, #tpu.memory_space<vmem>> -> memref<32x128xf32, #tpu.memory_space<vmem>>
      %dma_wait3A_586 = arith.constant 0 : i32
      %dma_wait3A_587 = tpu.memref_slice %arg3[%dma_wait3A_586, %multiple_of3A_183] : memref<32x1000000xf32, #tpu.memory_space<hbm>> -> memref<32x128xf32, #tpu.memory_space<hbm>>
      tpu.wait_dma2 semaphore(%arg10 : memref<!tpu.dma_semaphore, #tpu.memory_space<semaphore_mem>>) src(%dma_wait3A_587 : memref<32x128xf32, #tpu.memory_space<hbm>>) dst(%dma_wait3A_585 : memref<32x128xf32, #tpu.memory_space<vmem>>)
      %dma_wait3A_588 = arith.constant 15 : i32
      %dma_wait3A_589 = arith.constant 0 : i32
      %dma_wait3A_590 = arith.constant 0 : i32
      %dma_wait3A_591 = tpu.memref_slice %arg8[%dma_wait3A_588, %dma_wait3A_589, %dma_wait3A_590] : memref<16x32x128xf32, #tpu.memory_space<vmem>> -> memref<1x32x128xf32, #tpu.memory_space<vmem>>
      %dma_wait3A_592 = tpu.memref_squeeze %dma_wait3A_591 : memref<1x32x128xf32, #tpu.memory_space<vmem>> -> memref<32x128xf32, #tpu.memory_space<vmem>>
      %dma_wait3A_593 = arith.constant 0 : i32
      %dma_wait3A_594 = tpu.memref_slice %arg3[%dma_wait3A_593, %multiple_of3A_186] : memref<32x1000000xf32, #tpu.memory_space<hbm>> -> memref<32x128xf32, #tpu.memory_space<hbm>>
      %dma_wait3A_595 = arith.constant 0 : i32
      %dma_wait3A_596 = arith.constant 0 : i32
      %dma_wait3A_597 = tpu.memref_slice %arg8[%dma_wait3A_588, %dma_wait3A_595, %dma_wait3A_596] : memref<16x32x128xf32, #tpu.memory_space<vmem>> -> memref<1x32x128xf32, #tpu.memory_space<vmem>>
      %dma_wait3A_598 = tpu.memref_squeeze %dma_wait3A_597 : memref<1x32x128xf32, #tpu.memory_space<vmem>> -> memref<32x128xf32, #tpu.memory_space<vmem>>
      %dma_wait3A_599 = arith.constant 0 : i32
      %dma_wait3A_600 = tpu.memref_slice %arg3[%dma_wait3A_599, %multiple_of3A_186] : memref<32x1000000xf32, #tpu.memory_space<hbm>> -> memref<32x128xf32, #tpu.memory_space<hbm>>
      tpu.wait_dma2 semaphore(%arg10 : memref<!tpu.dma_semaphore, #tpu.memory_space<semaphore_mem>>) src(%dma_wait3A_600 : memref<32x128xf32, #tpu.memory_space<hbm>>) dst(%dma_wait3A_598 : memref<32x128xf32, #tpu.memory_space<vmem>>)
      %get3A_601 = arith.index_cast %mul3A_140 : i32 to index
      %get3A_602 = tpu.vector_load %arg7[%get3A_601] {strides = array<i32>} : memref<512xi32, #tpu.memory_space<vmem>>, vector<16xi32>,
      %jit3A = arith.constant 128 : i32
      %div3A = arith.divsi %mul3A_140, %jit3A : i32
      %sign3A = arith.constant 0 : i32
      %sign3A_603 = arith.cmpi sgt, %mul3A_140, %sign3A : i32
      %sign3A_604 = arith.extui %sign3A_603 : i1 to i32
      %sign3A_605 = arith.constant 0 : i32
      %sign3A_606 = arith.cmpi slt, %mul3A_140, %sign3A_605 : i32
      %sign3A_607 = arith.extui %sign3A_606 : i1 to i32
      %sign3A_608 = arith.subi %sign3A_604, %sign3A_607 : i32
      %sign3A_609 = arith.constant 0 : i32
      %sign3A_610 = arith.cmpi sgt, %jit3A, %sign3A_609 : i32
      %sign3A_611 = arith.extui %sign3A_610 : i1 to i32
      %sign3A_612 = arith.constant 0 : i32
      %sign3A_613 = arith.cmpi slt, %jit3A, %sign3A_612 : i32
      %sign3A_614 = arith.extui %sign3A_613 : i1 to i32
      %sign3A_615 = arith.subi %sign3A_611, %sign3A_614 : i32
      %ne3A = arith.cmpi ne, %sign3A_608, %sign3A_615 : i32
      %rem3A = arith.remsi %mul3A_140, %jit3A : i32
      %ne3A_616 = arith.constant 0 : i32
      %ne3A_617 = arith.cmpi ne, %rem3A, %ne3A_616 : i32
      %and3A = arith.andi %ne3A, %ne3A_617 : i1
      %sub3A = arith.constant 1 : i32
      %sub3A_618 = arith.subi %div3A, %sub3A : i32
      %select_n3A = arith.select %and3A, %sub3A_618, %div3A : i32
      %jit3A_619 = arith.constant 128 : i32
      %eq3A = arith.constant 0 : i32
      %eq3A_620 = arith.cmpi eq, %jit3A_619, %eq3A : i32
      %jit3A_621 = arith.constant 1 : i32
      %select_n3A_622 = arith.select %eq3A_620, %jit3A_621, %jit3A_619 : i32
      %rem3A_623 = arith.remsi %mul3A_140, %select_n3A_622 : i32
      %ne3A_624 = arith.constant 0 : i32
      %ne3A_625 = arith.cmpi ne, %rem3A_623, %ne3A_624 : i32
      %lt3A = arith.constant 0 : i32
      %lt3A_626 = arith.cmpi slt, %rem3A_623, %lt3A : i32
      %lt3A_627 = arith.constant 0 : i32
      %lt3A_628 = arith.cmpi slt, %select_n3A_622, %lt3A_627 : i32
      %ne3A_629 = arith.xori %lt3A_626, %lt3A_628 : i1
      %and3A_630 = arith.andi %ne3A_629, %ne3A_625 : i1
      %add3A_631 = arith.addi %rem3A_623, %select_n3A_622 : i32
      %select_n3A_632 = arith.select %and3A_630, %add3A_631, %rem3A_623 : i32
      %broadcast_in_dim3A = arith.constant 0 : i32
      %broadcast_in_dim3A_633 = vector.broadcast %broadcast_in_dim3A : i32 to vector<16xi32>
      %gather3A = tpu.vector_load_idx %arg8[%iota3A, %broadcast_in_dim3A_633, %get3A_602] : memref<16x32x128xf32, #tpu.memory_space<vmem>>[vector<16xi32>, vector<16xi32>, vector<16xi32>], vector<16xf32>,
      %add3A_634 = arith.constant 0 : i32
      %add3A_635 = arith.addi %add3A_634, %select_n3A : i32
      %mul3A_636 = arith.constant 1024 : i32
      %mul3A_637 = arith.muli %add3A_635, %mul3A_636 : i32
      %add3A_638 = arith.constant 0 : i32
      %add3A_639 = arith.addi %mul3A_637, %add3A_638 : i32
      %add3A_640 = arith.addi %add3A_639, %select_n3A_632 : i32
      %swap3A = arith.index_cast %add3A_640 : i32 to index
      %swap3A_641 = tpu.vector_load %arg9[%swap3A] {strides = array<i32>} : memref<16384xf32, #tpu.memory_space<vmem>>, vector<16xf32>,
      tpu.vector_store %arg9[%swap3A], %gather3A {strides = array<i32>} : memref<16384xf32, #tpu.memory_space<vmem>>, vector<16xf32>,
      %broadcast_in_dim3A_642 = arith.constant 1 : i32
      %broadcast_in_dim3A_643 = vector.broadcast %broadcast_in_dim3A_642 : i32 to vector<16xi32>
      %gather3A_644 = tpu.vector_load_idx %arg8[%iota3A, %broadcast_in_dim3A_643, %get3A_602] : memref<16x32x128xf32, #tpu.memory_space<vmem>>[vector<16xi32>, vector<16xi32>, vector<16xi32>], vector<16xf32>,
      %add3A_645 = arith.constant 0 : i32
      %add3A_646 = arith.addi %add3A_645, %select_n3A : i32
      %mul3A_647 = arith.constant 1024 : i32
      %mul3A_648 = arith.muli %add3A_646, %mul3A_647 : i32
      %add3A_649 = arith.constant 128 : i32
      %add3A_650 = arith.addi %mul3A_648, %add3A_649 : i32
      %add3A_651 = arith.addi %add3A_650, %select_n3A_632 : i32
      %swap3A_652 = arith.index_cast %add3A_651 : i32 to index
      %swap3A_653 = tpu.vector_load %arg9[%swap3A_652] {strides = array<i32>} : memref<16384xf32, #tpu.memory_space<vmem>>, vector<16xf32>,
      tpu.vector_store %arg9[%swap3A_652], %gather3A_644 {strides = array<i32>} : memref<16384xf32, #tpu.memory_space<vmem>>, vector<16xf32>,
      %broadcast_in_dim3A_654 = arith.constant 2 : i32
      %broadcast_in_dim3A_655 = vector.broadcast %broadcast_in_dim3A_654 : i32 to vector<16xi32>
      %gather3A_656 = tpu.vector_load_idx %arg8[%iota3A, %broadcast_in_dim3A_655, %get3A_602] : memref<16x32x128xf32, #tpu.memory_space<vmem>>[vector<16xi32>, vector<16xi32>, vector<16xi32>], vector<16xf32>,
      %add3A_657 = arith.constant 0 : i32
      %add3A_658 = arith.addi %add3A_657, %select_n3A : i32
      %mul3A_659 = arith.constant 1024 : i32
      %mul3A_660 = arith.muli %add3A_658, %mul3A_659 : i32
      %add3A_661 = arith.constant 256 : i32
      %add3A_662 = arith.addi %mul3A_660, %add3A_661 : i32
      %add3A_663 = arith.addi %add3A_662, %select_n3A_632 : i32
      %swap3A_664 = arith.index_cast %add3A_663 : i32 to index
      %swap3A_665 = tpu.vector_load %arg9[%swap3A_664] {strides = array<i32>} : memref<16384xf32, #tpu.memory_space<vmem>>, vector<16xf32>,
      tpu.vector_store %arg9[%swap3A_664], %gather3A_656 {strides = array<i32>} : memref<16384xf32, #tpu.memory_space<vmem>>, vector<16xf32>,
      %broadcast_in_dim3A_666 = arith.constant 3 : i32
      %broadcast_in_dim3A_667 = vector.broadcast %broadcast_in_dim3A_666 : i32 to vector<16xi32>
      %gather3A_668 = tpu.vector_load_idx %arg8[%iota3A, %broadcast_in_dim3A_667, %get3A_602] : memref<16x32x128xf32, #tpu.memory_space<vmem>>[vector<16xi32>, vector<16xi32>, vector<16xi32>], vector<16xf32>,
      %add3A_669 = arith.constant 0 : i32
      %add3A_670 = arith.addi %add3A_669, %select_n3A : i32
      %mul3A_671 = arith.constant 1024 : i32
      %mul3A_672 = arith.muli %add3A_670, %mul3A_671 : i32
      %add3A_673 = arith.constant 384 : i32
      %add3A_674 = arith.addi %mul3A_672, %add3A_673 : i32
      %add3A_675 = arith.addi %add3A_674, %select_n3A_632 : i32
      %swap3A_676 = arith.index_cast %add3A_675 : i32 to index
      %swap3A_677 = tpu.vector_load %arg9[%swap3A_676] {strides = array<i32>} : memref<16384xf32, #tpu.memory_space<vmem>>, vector<16xf32>,
      tpu.vector_store %arg9[%swap3A_676], %gather3A_668 {strides = array<i32>} : memref<16384xf32, #tpu.memory_space<vmem>>, vector<16xf32>,
      %broadcast_in_dim3A_678 = arith.constant 4 : i32
      %broadcast_in_dim3A_679 = vector.broadcast %broadcast_in_dim3A_678 : i32 to vector<16xi32>
      %gather3A_680 = tpu.vector_load_idx %arg8[%iota3A, %broadcast_in_dim3A_679, %get3A_602] : memref<16x32x128xf32, #tpu.memory_space<vmem>>[vector<16xi32>, vector<16xi32>, vector<16xi32>], vector<16xf32>,
      %add3A_681 = arith.constant 0 : i32
      %add3A_682 = arith.addi %add3A_681, %select_n3A : i32
      %mul3A_683 = arith.constant 1024 : i32
      %mul3A_684 = arith.muli %add3A_682, %mul3A_683 : i32
      %add3A_685 = arith.constant 512 : i32
      %add3A_686 = arith.addi %mul3A_684, %add3A_685 : i32
      %add3A_687 = arith.addi %add3A_686, %select_n3A_632 : i32
      %swap3A_688 = arith.index_cast %add3A_687 : i32 to index
      %swap3A_689 = tpu.vector_load %arg9[%swap3A_688] {strides = array<i32>} : memref<16384xf32, #tpu.memory_space<vmem>>, vector<16xf32>,
      tpu.vector_store %arg9[%swap3A_688], %gather3A_680 {strides = array<i32>} : memref<16384xf32, #tpu.memory_space<vmem>>, vector<16xf32>,
      %broadcast_in_dim3A_690 = arith.constant 5 : i32
      %broadcast_in_dim3A_691 = vector.broadcast %broadcast_in_dim3A_690 : i32 to vector<16xi32>
      %gather3A_692 = tpu.vector_load_idx %arg8[%iota3A, %broadcast_in_dim3A_691, %get3A_602] : memref<16x32x128xf32, #tpu.memory_space<vmem>>[vector<16xi32>, vector<16xi32>, vector<16xi32>], vector<16xf32>,
      %add3A_693 = arith.constant 0 : i32
      %add3A_694 = arith.addi %add3A_693, %select_n3A : i32
      %mul3A_695 = arith.constant 1024 : i32
      %mul3A_696 = arith.muli %add3A_694, %mul3A_695 : i32
      %add3A_697 = arith.constant 640 : i32
      %add3A_698 = arith.addi %mul3A_696, %add3A_697 : i32
      %add3A_699 = arith.addi %add3A_698, %select_n3A_632 : i32
      %swap3A_700 = arith.index_cast %add3A_699 : i32 to index
      %swap3A_701 = tpu.vector_load %arg9[%swap3A_700] {strides = array<i32>} : memref<16384xf32, #tpu.memory_space<vmem>>, vector<16xf32>,
      tpu.vector_store %arg9[%swap3A_700], %gather3A_692 {strides = array<i32>} : memref<16384xf32, #tpu.memory_space<vmem>>, vector<16xf32>,
      %broadcast_in_dim3A_702 = arith.constant 6 : i32
      %broadcast_in_dim3A_703 = vector.broadcast %broadcast_in_dim3A_702 : i32 to vector<16xi32>
      %gather3A_704 = tpu.vector_load_idx %arg8[%iota3A, %broadcast_in_dim3A_703, %get3A_602] : memref<16x32x128xf32, #tpu.memory_space<vmem>>[vector<16xi32>, vector<16xi32>, vector<16xi32>], vector<16xf32>,
      %add3A_705 = arith.constant 0 : i32
      %add3A_706 = arith.addi %add3A_705, %select_n3A : i32
      %mul3A_707 = arith.constant 1024 : i32
      %mul3A_708 = arith.muli %add3A_706, %mul3A_707 : i32
      %add3A_709 = arith.constant 768 : i32
      %add3A_710 = arith.addi %mul3A_708, %add3A_709 : i32
      %add3A_711 = arith.addi %add3A_710, %select_n3A_632 : i32
      %swap3A_712 = arith.index_cast %add3A_711 : i32 to index
      %swap3A_713 = tpu.vector_load %arg9[%swap3A_712] {strides = array<i32>} : memref<16384xf32, #tpu.memory_space<vmem>>, vector<16xf32>,
      tpu.vector_store %arg9[%swap3A_712], %gather3A_704 {strides = array<i32>} : memref<16384xf32, #tpu.memory_space<vmem>>, vector<16xf32>,
      %broadcast_in_dim3A_714 = arith.constant 7 : i32
      %broadcast_in_dim3A_715 = vector.broadcast %broadcast_in_dim3A_714 : i32 to vector<16xi32>
      %gather3A_716 = tpu.vector_load_idx %arg8[%iota3A, %broadcast_in_dim3A_715, %get3A_602] : memref<16x32x128xf32, #tpu.memory_space<vmem>>[vector<16xi32>, vector<16xi32>, vector<16xi32>], vector<16xf32>,
      %add3A_717 = arith.constant 0 : i32
      %add3A_718 = arith.addi %add3A_717, %select_n3A : i32
      %mul3A_719 = arith.constant 1024 : i32
      %mul3A_720 = arith.muli %add3A_718, %mul3A_719 : i32
      %add3A_721 = arith.constant 896 : i32
      %add3A_722 = arith.addi %mul3A_720, %add3A_721 : i32
      %add3A_723 = arith.addi %add3A_722, %select_n3A_632 : i32
      %swap3A_724 = arith.index_cast %add3A_723 : i32 to index
      %swap3A_725 = tpu.vector_load %arg9[%swap3A_724] {strides = array<i32>} : memref<16384xf32, #tpu.memory_space<vmem>>, vector<16xf32>,
      tpu.vector_store %arg9[%swap3A_724], %gather3A_716 {strides = array<i32>} : memref<16384xf32, #tpu.memory_space<vmem>>, vector<16xf32>,
      %broadcast_in_dim3A_726 = arith.constant 8 : i32
      %broadcast_in_dim3A_727 = vector.broadcast %broadcast_in_dim3A_726 : i32 to vector<16xi32>
      %gather3A_728 = tpu.vector_load_idx %arg8[%iota3A, %broadcast_in_dim3A_727, %get3A_602] : memref<16x32x128xf32, #tpu.memory_space<vmem>>[vector<16xi32>, vector<16xi32>, vector<16xi32>], vector<16xf32>,
      %add3A_729 = arith.constant 4 : i32
      %add3A_730 = arith.addi %add3A_729, %select_n3A : i32
      %mul3A_731 = arith.constant 1024 : i32
      %mul3A_732 = arith.muli %add3A_730, %mul3A_731 : i32
      %add3A_733 = arith.constant 0 : i32
      %add3A_734 = arith.addi %mul3A_732, %add3A_733 : i32
      %add3A_735 = arith.addi %add3A_734, %select_n3A_632 : i32
      %swap3A_736 = arith.index_cast %add3A_735 : i32 to index
      %swap3A_737 = tpu.vector_load %arg9[%swap3A_736] {strides = array<i32>} : memref<16384xf32, #tpu.memory_space<vmem>>, vector<16xf32>,
      tpu.vector_store %arg9[%swap3A_736], %gather3A_728 {strides = array<i32>} : memref<16384xf32, #tpu.memory_space<vmem>>, vector<16xf32>,
      %broadcast_in_dim3A_738 = arith.constant 9 : i32
      %broadcast_in_dim3A_739 = vector.broadcast %broadcast_in_dim3A_738 : i32 to vector<16xi32>
      %gather3A_740 = tpu.vector_load_idx %arg8[%iota3A, %broadcast_in_dim3A_739, %get3A_602] : memref<16x32x128xf32, #tpu.memory_space<vmem>>[vector<16xi32>, vector<16xi32>, vector<16xi32>], vector<16xf32>,
      %add3A_741 = arith.constant 4 : i32
      %add3A_742 = arith.addi %add3A_741, %select_n3A : i32
      %mul3A_743 = arith.constant 1024 : i32
      %mul3A_744 = arith.muli %add3A_742, %mul3A_743 : i32
      %add3A_745 = arith.constant 128 : i32
      %add3A_746 = arith.addi %mul3A_744, %add3A_745 : i32
      %add3A_747 = arith.addi %add3A_746, %select_n3A_632 : i32
      %swap3A_748 = arith.index_cast %add3A_747 : i32 to index
      %swap3A_749 = tpu.vector_load %arg9[%swap3A_748] {strides = array<i32>} : memref<16384xf32, #tpu.memory_space<vmem>>, vector<16xf32>,
      tpu.vector_store %arg9[%swap3A_748], %gather3A_740 {strides = array<i32>} : memref<16384xf32, #tpu.memory_space<vmem>>, vector<16xf32>,
      %broadcast_in_dim3A_750 = arith.constant 10 : i32
      %broadcast_in_dim3A_751 = vector.broadcast %broadcast_in_dim3A_750 : i32 to vector<16xi32>
      %gather3A_752 = tpu.vector_load_idx %arg8[%iota3A, %broadcast_in_dim3A_751, %get3A_602] : memref<16x32x128xf32, #tpu.memory_space<vmem>>[vector<16xi32>, vector<16xi32>, vector<16xi32>], vector<16xf32>,
      %add3A_753 = arith.constant 4 : i32
      %add3A_754 = arith.addi %add3A_753, %select_n3A : i32
      %mul3A_755 = arith.constant 1024 : i32
      %mul3A_756 = arith.muli %add3A_754, %mul3A_755 : i32
      %add3A_757 = arith.constant 256 : i32
      %add3A_758 = arith.addi %mul3A_756, %add3A_757 : i32
      %add3A_759 = arith.addi %add3A_758, %select_n3A_632 : i32
      %swap3A_760 = arith.index_cast %add3A_759 : i32 to index
      %swap3A_761 = tpu.vector_load %arg9[%swap3A_760] {strides = array<i32>} : memref<16384xf32, #tpu.memory_space<vmem>>, vector<16xf32>,
      tpu.vector_store %arg9[%swap3A_760], %gather3A_752 {strides = array<i32>} : memref<16384xf32, #tpu.memory_space<vmem>>, vector<16xf32>,
      %broadcast_in_dim3A_762 = arith.constant 11 : i32
      %broadcast_in_dim3A_763 = vector.broadcast %broadcast_in_dim3A_762 : i32 to vector<16xi32>
      %gather3A_764 = tpu.vector_load_idx %arg8[%iota3A, %broadcast_in_dim3A_763, %get3A_602] : memref<16x32x128xf32, #tpu.memory_space<vmem>>[vector<16xi32>, vector<16xi32>, vector<16xi32>], vector<16xf32>,
      %add3A_765 = arith.constant 4 : i32
      %add3A_766 = arith.addi %add3A_765, %select_n3A : i32
      %mul3A_767 = arith.constant 1024 : i32
      %mul3A_768 = arith.muli %add3A_766, %mul3A_767 : i32
      %add3A_769 = arith.constant 384 : i32
      %add3A_770 = arith.addi %mul3A_768, %add3A_769 : i32
      %add3A_771 = arith.addi %add3A_770, %select_n3A_632 : i32
      %swap3A_772 = arith.index_cast %add3A_771 : i32 to index
      %swap3A_773 = tpu.vector_load %arg9[%swap3A_772] {strides = array<i32>} : memref<16384xf32, #tpu.memory_space<vmem>>, vector<16xf32>,
      tpu.vector_store %arg9[%swap3A_772], %gather3A_764 {strides = array<i32>} : memref<16384xf32, #tpu.memory_space<vmem>>, vector<16xf32>,
      %broadcast_in_dim3A_774 = arith.constant 12 : i32
      %broadcast_in_dim3A_775 = vector.broadcast %broadcast_in_dim3A_774 : i32 to vector<16xi32>
      %gather3A_776 = tpu.vector_load_idx %arg8[%iota3A, %broadcast_in_dim3A_775, %get3A_602] : memref<16x32x128xf32, #tpu.memory_space<vmem>>[vector<16xi32>, vector<16xi32>, vector<16xi32>], vector<16xf32>,
      %add3A_777 = arith.constant 4 : i32
      %add3A_778 = arith.addi %add3A_777, %select_n3A : i32
      %mul3A_779 = arith.constant 1024 : i32
      %mul3A_780 = arith.muli %add3A_778, %mul3A_779 : i32
      %add3A_781 = arith.constant 512 : i32
      %add3A_782 = arith.addi %mul3A_780, %add3A_781 : i32
      %add3A_783 = arith.addi %add3A_782, %select_n3A_632 : i32
      %swap3A_784 = arith.index_cast %add3A_783 : i32 to index
      %swap3A_785 = tpu.vector_load %arg9[%swap3A_784] {strides = array<i32>} : memref<16384xf32, #tpu.memory_space<vmem>>, vector<16xf32>,
      tpu.vector_store %arg9[%swap3A_784], %gather3A_776 {strides = array<i32>} : memref<16384xf32, #tpu.memory_space<vmem>>, vector<16xf32>,
      %broadcast_in_dim3A_786 = arith.constant 13 : i32
      %broadcast_in_dim3A_787 = vector.broadcast %broadcast_in_dim3A_786 : i32 to vector<16xi32>
      %gather3A_788 = tpu.vector_load_idx %arg8[%iota3A, %broadcast_in_dim3A_787, %get3A_602] : memref<16x32x128xf32, #tpu.memory_space<vmem>>[vector<16xi32>, vector<16xi32>, vector<16xi32>], vector<16xf32>,
      %add3A_789 = arith.constant 4 : i32
      %add3A_790 = arith.addi %add3A_789, %select_n3A : i32
      %mul3A_791 = arith.constant 1024 : i32
      %mul3A_792 = arith.muli %add3A_790, %mul3A_791 : i32
      %add3A_793 = arith.constant 640 : i32
      %add3A_794 = arith.addi %mul3A_792, %add3A_793 : i32
      %add3A_795 = arith.addi %add3A_794, %select_n3A_632 : i32
      %swap3A_796 = arith.index_cast %add3A_795 : i32 to index
      %swap3A_797 = tpu.vector_load %arg9[%swap3A_796] {strides = array<i32>} : memref<16384xf32, #tpu.memory_space<vmem>>, vector<16xf32>,
      tpu.vector_store %arg9[%swap3A_796], %gather3A_788 {strides = array<i32>} : memref<16384xf32, #tpu.memory_space<vmem>>, vector<16xf32>,
      %broadcast_in_dim3A_798 = arith.constant 14 : i32
      %broadcast_in_dim3A_799 = vector.broadcast %broadcast_in_dim3A_798 : i32 to vector<16xi32>
      %gather3A_800 = tpu.vector_load_idx %arg8[%iota3A, %broadcast_in_dim3A_799, %get3A_602] : memref<16x32x128xf32, #tpu.memory_space<vmem>>[vector<16xi32>, vector<16xi32>, vector<16xi32>], vector<16xf32>,
      %add3A_801 = arith.constant 4 : i32
      %add3A_802 = arith.addi %add3A_801, %select_n3A : i32
      %mul3A_803 = arith.constant 1024 : i32
      %mul3A_804 = arith.muli %add3A_802, %mul3A_803 : i32
      %add3A_805 = arith.constant 768 : i32
      %add3A_806 = arith.addi %mul3A_804, %add3A_805 : i32
      %add3A_807 = arith.addi %add3A_806, %select_n3A_632 : i32
      %swap3A_808 = arith.index_cast %add3A_807 : i32 to index
      %swap3A_809 = tpu.vector_load %arg9[%swap3A_808] {strides = array<i32>} : memref<16384xf32, #tpu.memory_space<vmem>>, vector<16xf32>,
      tpu.vector_store %arg9[%swap3A_808], %gather3A_800 {strides = array<i32>} : memref<16384xf32, #tpu.memory_space<vmem>>, vector<16xf32>,
      %broadcast_in_dim3A_810 = arith.constant 15 : i32
      %broadcast_in_dim3A_811 = vector.broadcast %broadcast_in_dim3A_810 : i32 to vector<16xi32>
      %gather3A_812 = tpu.vector_load_idx %arg8[%iota3A, %broadcast_in_dim3A_811, %get3A_602] : memref<16x32x128xf32, #tpu.memory_space<vmem>>[vector<16xi32>, vector<16xi32>, vector<16xi32>], vector<16xf32>,
      %add3A_813 = arith.constant 4 : i32
      %add3A_814 = arith.addi %add3A_813, %select_n3A : i32
      %mul3A_815 = arith.constant 1024 : i32
      %mul3A_816 = arith.muli %add3A_814, %mul3A_815 : i32
      %add3A_817 = arith.constant 896 : i32
      %add3A_818 = arith.addi %mul3A_816, %add3A_817 : i32
      %add3A_819 = arith.addi %add3A_818, %select_n3A_632 : i32
      %swap3A_820 = arith.index_cast %add3A_819 : i32 to index
      %swap3A_821 = tpu.vector_load %arg9[%swap3A_820] {strides = array<i32>} : memref<16384xf32, #tpu.memory_space<vmem>>, vector<16xf32>,
      tpu.vector_store %arg9[%swap3A_820], %gather3A_812 {strides = array<i32>} : memref<16384xf32, #tpu.memory_space<vmem>>, vector<16xf32>,
      %broadcast_in_dim3A_822 = arith.constant 16 : i32
      %broadcast_in_dim3A_823 = vector.broadcast %broadcast_in_dim3A_822 : i32 to vector<16xi32>
      %gather3A_824 = tpu.vector_load_idx %arg8[%iota3A, %broadcast_in_dim3A_823, %get3A_602] : memref<16x32x128xf32, #tpu.memory_space<vmem>>[vector<16xi32>, vector<16xi32>, vector<16xi32>], vector<16xf32>,
      %add3A_825 = arith.constant 8 : i32
      %add3A_826 = arith.addi %add3A_825, %select_n3A : i32
      %mul3A_827 = arith.constant 1024 : i32
      %mul3A_828 = arith.muli %add3A_826, %mul3A_827 : i32
      %add3A_829 = arith.constant 0 : i32
      %add3A_830 = arith.addi %mul3A_828, %add3A_829 : i32
      %add3A_831 = arith.addi %add3A_830, %select_n3A_632 : i32
      %swap3A_832 = arith.index_cast %add3A_831 : i32 to index
      %swap3A_833 = tpu.vector_load %arg9[%swap3A_832] {strides = array<i32>} : memref<16384xf32, #tpu.memory_space<vmem>>, vector<16xf32>,
      tpu.vector_store %arg9[%swap3A_832], %gather3A_824 {strides = array<i32>} : memref<16384xf32, #tpu.memory_space<vmem>>, vector<16xf32>,
      %broadcast_in_dim3A_834 = arith.constant 17 : i32
      %broadcast_in_dim3A_835 = vector.broadcast %broadcast_in_dim3A_834 : i32 to vector<16xi32>
      %gather3A_836 = tpu.vector_load_idx %arg8[%iota3A, %broadcast_in_dim3A_835, %get3A_602] : memref<16x32x128xf32, #tpu.memory_space<vmem>>[vector<16xi32>, vector<16xi32>, vector<16xi32>], vector<16xf32>,
      %add3A_837 = arith.constant 8 : i32
      %add3A_838 = arith.addi %add3A_837, %select_n3A : i32
      %mul3A_839 = arith.constant 1024 : i32
      %mul3A_840 = arith.muli %add3A_838, %mul3A_839 : i32
      %add3A_841 = arith.constant 128 : i32
      %add3A_842 = arith.addi %mul3A_840, %add3A_841 : i32
      %add3A_843 = arith.addi %add3A_842, %select_n3A_632 : i32
      %swap3A_844 = arith.index_cast %add3A_843 : i32 to index
      %swap3A_845 = tpu.vector_load %arg9[%swap3A_844] {strides = array<i32>} : memref<16384xf32, #tpu.memory_space<vmem>>, vector<16xf32>,
      tpu.vector_store %arg9[%swap3A_844], %gather3A_836 {strides = array<i32>} : memref<16384xf32, #tpu.memory_space<vmem>>, vector<16xf32>,
      %broadcast_in_dim3A_846 = arith.constant 18 : i32
      %broadcast_in_dim3A_847 = vector.broadcast %broadcast_in_dim3A_846 : i32 to vector<16xi32>
      %gather3A_848 = tpu.vector_load_idx %arg8[%iota3A, %broadcast_in_dim3A_847, %get3A_602] : memref<16x32x128xf32, #tpu.memory_space<vmem>>[vector<16xi32>, vector<16xi32>, vector<16xi32>], vector<16xf32>,
      %add3A_849 = arith.constant 8 : i32
      %add3A_850 = arith.addi %add3A_849, %select_n3A : i32
      %mul3A_851 = arith.constant 1024 : i32
      %mul3A_852 = arith.muli %add3A_850, %mul3A_851 : i32
      %add3A_853 = arith.constant 256 : i32
      %add3A_854 = arith.addi %mul3A_852, %add3A_853 : i32
      %add3A_855 = arith.addi %add3A_854, %select_n3A_632 : i32
      %swap3A_856 = arith.index_cast %add3A_855 : i32 to index
      %swap3A_857 = tpu.vector_load %arg9[%swap3A_856] {strides = array<i32>} : memref<16384xf32, #tpu.memory_space<vmem>>, vector<16xf32>,
      tpu.vector_store %arg9[%swap3A_856], %gather3A_848 {strides = array<i32>} : memref<16384xf32, #tpu.memory_space<vmem>>, vector<16xf32>,
      %broadcast_in_dim3A_858 = arith.constant 19 : i32
      %broadcast_in_dim3A_859 = vector.broadcast %broadcast_in_dim3A_858 : i32 to vector<16xi32>
      %gather3A_860 = tpu.vector_load_idx %arg8[%iota3A, %broadcast_in_dim3A_859, %get3A_602] : memref<16x32x128xf32, #tpu.memory_space<vmem>>[vector<16xi32>, vector<16xi32>, vector<16xi32>], vector<16xf32>,
      %add3A_861 = arith.constant 8 : i32
      %add3A_862 = arith.addi %add3A_861, %select_n3A : i32
      %mul3A_863 = arith.constant 1024 : i32
      %mul3A_864 = arith.muli %add3A_862, %mul3A_863 : i32
      %add3A_865 = arith.constant 384 : i32
      %add3A_866 = arith.addi %mul3A_864, %add3A_865 : i32
      %add3A_867 = arith.addi %add3A_866, %select_n3A_632 : i32
      %swap3A_868 = arith.index_cast %add3A_867 : i32 to index
      %swap3A_869 = tpu.vector_load %arg9[%swap3A_868] {strides = array<i32>} : memref<16384xf32, #tpu.memory_space<vmem>>, vector<16xf32>,
      tpu.vector_store %arg9[%swap3A_868], %gather3A_860 {strides = array<i32>} : memref<16384xf32, #tpu.memory_space<vmem>>, vector<16xf32>,
      %broadcast_in_dim3A_870 = arith.constant 20 : i32
      %broadcast_in_dim3A_871 = vector.broadcast %broadcast_in_dim3A_870 : i32 to vector<16xi32>
      %gather3A_872 = tpu.vector_load_idx %arg8[%iota3A, %broadcast_in_dim3A_871, %get3A_602] : memref<16x32x128xf32, #tpu.memory_space<vmem>>[vector<16xi32>, vector<16xi32>, vector<16xi32>], vector<16xf32>,
      %add3A_873 = arith.constant 8 : i32
      %add3A_874 = arith.addi %add3A_873, %select_n3A : i32
      %mul3A_875 = arith.constant 1024 : i32
      %mul3A_876 = arith.muli %add3A_874, %mul3A_875 : i32
      %add3A_877 = arith.constant 512 : i32
      %add3A_878 = arith.addi %mul3A_876, %add3A_877 : i32
      %add3A_879 = arith.addi %add3A_878, %select_n3A_632 : i32
      %swap3A_880 = arith.index_cast %add3A_879 : i32 to index
      %swap3A_881 = tpu.vector_load %arg9[%swap3A_880] {strides = array<i32>} : memref<16384xf32, #tpu.memory_space<vmem>>, vector<16xf32>,
      tpu.vector_store %arg9[%swap3A_880], %gather3A_872 {strides = array<i32>} : memref<16384xf32, #tpu.memory_space<vmem>>, vector<16xf32>,
      %broadcast_in_dim3A_882 = arith.constant 21 : i32
      %broadcast_in_dim3A_883 = vector.broadcast %broadcast_in_dim3A_882 : i32 to vector<16xi32>
      %gather3A_884 = tpu.vector_load_idx %arg8[%iota3A, %broadcast_in_dim3A_883, %get3A_602] : memref<16x32x128xf32, #tpu.memory_space<vmem>>[vector<16xi32>, vector<16xi32>, vector<16xi32>], vector<16xf32>,
      %add3A_885 = arith.constant 8 : i32
      %add3A_886 = arith.addi %add3A_885, %select_n3A : i32
      %mul3A_887 = arith.constant 1024 : i32
      %mul3A_888 = arith.muli %add3A_886, %mul3A_887 : i32
      %add3A_889 = arith.constant 640 : i32
      %add3A_890 = arith.addi %mul3A_888, %add3A_889 : i32
      %add3A_891 = arith.addi %add3A_890, %select_n3A_632 : i32
      %swap3A_892 = arith.index_cast %add3A_891 : i32 to index
      %swap3A_893 = tpu.vector_load %arg9[%swap3A_892] {strides = array<i32>} : memref<16384xf32, #tpu.memory_space<vmem>>, vector<16xf32>,
      tpu.vector_store %arg9[%swap3A_892], %gather3A_884 {strides = array<i32>} : memref<16384xf32, #tpu.memory_space<vmem>>, vector<16xf32>,
      %broadcast_in_dim3A_894 = arith.constant 22 : i32
      %broadcast_in_dim3A_895 = vector.broadcast %broadcast_in_dim3A_894 : i32 to vector<16xi32>
      %gather3A_896 = tpu.vector_load_idx %arg8[%iota3A, %broadcast_in_dim3A_895, %get3A_602] : memref<16x32x128xf32, #tpu.memory_space<vmem>>[vector<16xi32>, vector<16xi32>, vector<16xi32>], vector<16xf32>,
      %add3A_897 = arith.constant 8 : i32
      %add3A_898 = arith.addi %add3A_897, %select_n3A : i32
      %mul3A_899 = arith.constant 1024 : i32
      %mul3A_900 = arith.muli %add3A_898, %mul3A_899 : i32
      %add3A_901 = arith.constant 768 : i32
      %add3A_902 = arith.addi %mul3A_900, %add3A_901 : i32
      %add3A_903 = arith.addi %add3A_902, %select_n3A_632 : i32
      %swap3A_904 = arith.index_cast %add3A_903 : i32 to index
      %swap3A_905 = tpu.vector_load %arg9[%swap3A_904] {strides = array<i32>} : memref<16384xf32, #tpu.memory_space<vmem>>, vector<16xf32>,
      tpu.vector_store %arg9[%swap3A_904], %gather3A_896 {strides = array<i32>} : memref<16384xf32, #tpu.memory_space<vmem>>, vector<16xf32>,
      %broadcast_in_dim3A_906 = arith.constant 23 : i32
      %broadcast_in_dim3A_907 = vector.broadcast %broadcast_in_dim3A_906 : i32 to vector<16xi32>
      %gather3A_908 = tpu.vector_load_idx %arg8[%iota3A, %broadcast_in_dim3A_907, %get3A_602] : memref<16x32x128xf32, #tpu.memory_space<vmem>>[vector<16xi32>, vector<16xi32>, vector<16xi32>], vector<16xf32>,
      %add3A_909 = arith.constant 8 : i32
      %add3A_910 = arith.addi %add3A_909, %select_n3A : i32
      %mul3A_911 = arith.constant 1024 : i32
      %mul3A_912 = arith.muli %add3A_910, %mul3A_911 : i32
      %add3A_913 = arith.constant 896 : i32
      %add3A_914 = arith.addi %mul3A_912, %add3A_913 : i32
      %add3A_915 = arith.addi %add3A_914, %select_n3A_632 : i32
      %swap3A_916 = arith.index_cast %add3A_915 : i32 to index
      %swap3A_917 = tpu.vector_load %arg9[%swap3A_916] {strides = array<i32>} : memref<16384xf32, #tpu.memory_space<vmem>>, vector<16xf32>,
      tpu.vector_store %arg9[%swap3A_916], %gather3A_908 {strides = array<i32>} : memref<16384xf32, #tpu.memory_space<vmem>>, vector<16xf32>,
      %broadcast_in_dim3A_918 = arith.constant 24 : i32
      %broadcast_in_dim3A_919 = vector.broadcast %broadcast_in_dim3A_918 : i32 to vector<16xi32>
      %gather3A_920 = tpu.vector_load_idx %arg8[%iota3A, %broadcast_in_dim3A_919, %get3A_602] : memref<16x32x128xf32, #tpu.memory_space<vmem>>[vector<16xi32>, vector<16xi32>, vector<16xi32>], vector<16xf32>,
      %add3A_921 = arith.constant 12 : i32
      %add3A_922 = arith.addi %add3A_921, %select_n3A : i32
      %mul3A_923 = arith.constant 1024 : i32
      %mul3A_924 = arith.muli %add3A_922, %mul3A_923 : i32
      %add3A_925 = arith.constant 0 : i32
      %add3A_926 = arith.addi %mul3A_924, %add3A_925 : i32
      %add3A_927 = arith.addi %add3A_926, %select_n3A_632 : i32
      %swap3A_928 = arith.index_cast %add3A_927 : i32 to index
      %swap3A_929 = tpu.vector_load %arg9[%swap3A_928] {strides = array<i32>} : memref<16384xf32, #tpu.memory_space<vmem>>, vector<16xf32>,
      tpu.vector_store %arg9[%swap3A_928], %gather3A_920 {strides = array<i32>} : memref<16384xf32, #tpu.memory_space<vmem>>, vector<16xf32>,
      %broadcast_in_dim3A_930 = arith.constant 25 : i32
      %broadcast_in_dim3A_931 = vector.broadcast %broadcast_in_dim3A_930 : i32 to vector<16xi32>
      %gather3A_932 = tpu.vector_load_idx %arg8[%iota3A, %broadcast_in_dim3A_931, %get3A_602] : memref<16x32x128xf32, #tpu.memory_space<vmem>>[vector<16xi32>, vector<16xi32>, vector<16xi32>], vector<16xf32>,
      %add3A_933 = arith.constant 12 : i32
      %add3A_934 = arith.addi %add3A_933, %select_n3A : i32
      %mul3A_935 = arith.constant 1024 : i32
      %mul3A_936 = arith.muli %add3A_934, %mul3A_935 : i32
      %add3A_937 = arith.constant 128 : i32
      %add3A_938 = arith.addi %mul3A_936, %add3A_937 : i32
      %add3A_939 = arith.addi %add3A_938, %select_n3A_632 : i32
      %swap3A_940 = arith.index_cast %add3A_939 : i32 to index
      %swap3A_941 = tpu.vector_load %arg9[%swap3A_940] {strides = array<i32>} : memref<16384xf32, #tpu.memory_space<vmem>>, vector<16xf32>,
      tpu.vector_store %arg9[%swap3A_940], %gather3A_932 {strides = array<i32>} : memref<16384xf32, #tpu.memory_space<vmem>>, vector<16xf32>,
      %broadcast_in_dim3A_942 = arith.constant 26 : i32
      %broadcast_in_dim3A_943 = vector.broadcast %broadcast_in_dim3A_942 : i32 to vector<16xi32>
      %gather3A_944 = tpu.vector_load_idx %arg8[%iota3A, %broadcast_in_dim3A_943, %get3A_602] : memref<16x32x128xf32, #tpu.memory_space<vmem>>[vector<16xi32>, vector<16xi32>, vector<16xi32>], vector<16xf32>,
      %add3A_945 = arith.constant 12 : i32
      %add3A_946 = arith.addi %add3A_945, %select_n3A : i32
      %mul3A_947 = arith.constant 1024 : i32
      %mul3A_948 = arith.muli %add3A_946, %mul3A_947 : i32
      %add3A_949 = arith.constant 256 : i32
      %add3A_950 = arith.addi %mul3A_948, %add3A_949 : i32
      %add3A_951 = arith.addi %add3A_950, %select_n3A_632 : i32
      %swap3A_952 = arith.index_cast %add3A_951 : i32 to index
      %swap3A_953 = tpu.vector_load %arg9[%swap3A_952] {strides = array<i32>} : memref<16384xf32, #tpu.memory_space<vmem>>, vector<16xf32>,
      tpu.vector_store %arg9[%swap3A_952], %gather3A_944 {strides = array<i32>} : memref<16384xf32, #tpu.memory_space<vmem>>, vector<16xf32>,
      %broadcast_in_dim3A_954 = arith.constant 27 : i32
      %broadcast_in_dim3A_955 = vector.broadcast %broadcast_in_dim3A_954 : i32 to vector<16xi32>
      %gather3A_956 = tpu.vector_load_idx %arg8[%iota3A, %broadcast_in_dim3A_955, %get3A_602] : memref<16x32x128xf32, #tpu.memory_space<vmem>>[vector<16xi32>, vector<16xi32>, vector<16xi32>], vector<16xf32>,
      %add3A_957 = arith.constant 12 : i32
      %add3A_958 = arith.addi %add3A_957, %select_n3A : i32
      %mul3A_959 = arith.constant 1024 : i32
      %mul3A_960 = arith.muli %add3A_958, %mul3A_959 : i32
      %add3A_961 = arith.constant 384 : i32
      %add3A_962 = arith.addi %mul3A_960, %add3A_961 : i32
      %add3A_963 = arith.addi %add3A_962, %select_n3A_632 : i32
      %swap3A_964 = arith.index_cast %add3A_963 : i32 to index
      %swap3A_965 = tpu.vector_load %arg9[%swap3A_964] {strides = array<i32>} : memref<16384xf32, #tpu.memory_space<vmem>>, vector<16xf32>,
      tpu.vector_store %arg9[%swap3A_964], %gather3A_956 {strides = array<i32>} : memref<16384xf32, #tpu.memory_space<vmem>>, vector<16xf32>,
      %broadcast_in_dim3A_966 = arith.constant 28 : i32
      %broadcast_in_dim3A_967 = vector.broadcast %broadcast_in_dim3A_966 : i32 to vector<16xi32>
      %gather3A_968 = tpu.vector_load_idx %arg8[%iota3A, %broadcast_in_dim3A_967, %get3A_602] : memref<16x32x128xf32, #tpu.memory_space<vmem>>[vector<16xi32>, vector<16xi32>, vector<16xi32>], vector<16xf32>,
      %add3A_969 = arith.constant 12 : i32
      %add3A_970 = arith.addi %add3A_969, %select_n3A : i32
      %mul3A_971 = arith.constant 1024 : i32
      %mul3A_972 = arith.muli %add3A_970, %mul3A_971 : i32
      %add3A_973 = arith.constant 512 : i32
      %add3A_974 = arith.addi %mul3A_972, %add3A_973 : i32
      %add3A_975 = arith.addi %add3A_974, %select_n3A_632 : i32
      %swap3A_976 = arith.index_cast %add3A_975 : i32 to index
      %swap3A_977 = tpu.vector_load %arg9[%swap3A_976] {strides = array<i32>} : memref<16384xf32, #tpu.memory_space<vmem>>, vector<16xf32>,
      tpu.vector_store %arg9[%swap3A_976], %gather3A_968 {strides = array<i32>} : memref<16384xf32, #tpu.memory_space<vmem>>, vector<16xf32>,
      %broadcast_in_dim3A_978 = arith.constant 29 : i32
      %broadcast_in_dim3A_979 = vector.broadcast %broadcast_in_dim3A_978 : i32 to vector<16xi32>
      %gather3A_980 = tpu.vector_load_idx %arg8[%iota3A, %broadcast_in_dim3A_979, %get3A_602] : memref<16x32x128xf32, #tpu.memory_space<vmem>>[vector<16xi32>, vector<16xi32>, vector<16xi32>], vector<16xf32>,
      %add3A_981 = arith.constant 12 : i32
      %add3A_982 = arith.addi %add3A_981, %select_n3A : i32
      %mul3A_983 = arith.constant 1024 : i32
      %mul3A_984 = arith.muli %add3A_982, %mul3A_983 : i32
      %add3A_985 = arith.constant 640 : i32
      %add3A_986 = arith.addi %mul3A_984, %add3A_985 : i32
      %add3A_987 = arith.addi %add3A_986, %select_n3A_632 : i32
      %swap3A_988 = arith.index_cast %add3A_987 : i32 to index
      %swap3A_989 = tpu.vector_load %arg9[%swap3A_988] {strides = array<i32>} : memref<16384xf32, #tpu.memory_space<vmem>>, vector<16xf32>,
      tpu.vector_store %arg9[%swap3A_988], %gather3A_980 {strides = array<i32>} : memref<16384xf32, #tpu.memory_space<vmem>>, vector<16xf32>,
      %broadcast_in_dim3A_990 = arith.constant 30 : i32
      %broadcast_in_dim3A_991 = vector.broadcast %broadcast_in_dim3A_990 : i32 to vector<16xi32>
      %gather3A_992 = tpu.vector_load_idx %arg8[%iota3A, %broadcast_in_dim3A_991, %get3A_602] : memref<16x32x128xf32, #tpu.memory_space<vmem>>[vector<16xi32>, vector<16xi32>, vector<16xi32>], vector<16xf32>,
      %add3A_993 = arith.constant 12 : i32
      %add3A_994 = arith.addi %add3A_993, %select_n3A : i32
      %mul3A_995 = arith.constant 1024 : i32
      %mul3A_996 = arith.muli %add3A_994, %mul3A_995 : i32
      %add3A_997 = arith.constant 768 : i32
      %add3A_998 = arith.addi %mul3A_996, %add3A_997 : i32
      %add3A_999 = arith.addi %add3A_998, %select_n3A_632 : i32
      %swap3A_1000 = arith.index_cast %add3A_999 : i32 to index
      %swap3A_1001 = tpu.vector_load %arg9[%swap3A_1000] {strides = array<i32>} : memref<16384xf32, #tpu.memory_space<vmem>>, vector<16xf32>,
      tpu.vector_store %arg9[%swap3A_1000], %gather3A_992 {strides = array<i32>} : memref<16384xf32, #tpu.memory_space<vmem>>, vector<16xf32>,
      %broadcast_in_dim3A_1002 = arith.constant 31 : i32
      %broadcast_in_dim3A_1003 = vector.broadcast %broadcast_in_dim3A_1002 : i32 to vector<16xi32>
      %gather3A_1004 = tpu.vector_load_idx %arg8[%iota3A, %broadcast_in_dim3A_1003, %get3A_602] : memref<16x32x128xf32, #tpu.memory_space<vmem>>[vector<16xi32>, vector<16xi32>, vector<16xi32>], vector<16xf32>,
      %add3A_1005 = arith.constant 12 : i32
      %add3A_1006 = arith.addi %add3A_1005, %select_n3A : i32
      %mul3A_1007 = arith.constant 1024 : i32
      %mul3A_1008 = arith.muli %add3A_1006, %mul3A_1007 : i32
      %add3A_1009 = arith.constant 896 : i32
      %add3A_1010 = arith.addi %mul3A_1008, %add3A_1009 : i32
      %add3A_1011 = arith.addi %add3A_1010, %select_n3A_632 : i32
      %swap3A_1012 = arith.index_cast %add3A_1011 : i32 to index
      %swap3A_1013 = tpu.vector_load %arg9[%swap3A_1012] {strides = array<i32>} : memref<16384xf32, #tpu.memory_space<vmem>>, vector<16xf32>,
      tpu.vector_store %arg9[%swap3A_1012], %gather3A_1004 {strides = array<i32>} : memref<16384xf32, #tpu.memory_space<vmem>>, vector<16xf32>,
    }
    %scan3A_9 = arith.constant 32 : i32
    %mul3A_10 = arith.constant 4 : i32
    %mul3A_11 = arith.muli %add3A, %mul3A_10 : i32
    %add3A_12 = arith.constant 0 : i32
    %add3A_13 = arith.addi %mul3A_11, %add3A_12 : i32
    %add3A_14 = arith.constant 0 : i32
    %add3A_15 = arith.addi %add3A_14, %add3A_13 : i32
    %mul3A_16 = arith.constant 1024 : i32
    %mul3A_17 = arith.muli %add3A_15, %mul3A_16 : i32
    "tpu.region"() ({
      %run_scoped3A = tpu.sem_alloc : memref<!tpu.dma_semaphore, #tpu.memory_space<semaphore_mem>>
      %dma_start3A = arith.constant 0 : i32
      %dma_start3A_138 = tpu.memref_slice %arg9[%dma_start3A] : memref<16384xf32, #tpu.memory_space<vmem>> -> memref<1024xf32, #tpu.memory_space<vmem>>
      %dma_start3A_139 = tpu.memref_slice %arg4[%mul3A_17] : memref<524288xf32, #tpu.memory_space<hbm>> -> memref<1024xf32, #tpu.memory_space<hbm>>
      %dma_start3A_140 = tpu.memref_slice %arg4[%mul3A_17] : memref<524288xf32, #tpu.memory_space<hbm>> -> memref<1024xf32, #tpu.memory_space<hbm>>
      %dma_start3A_141 = arith.constant 0 : i32
      %dma_start3A_142 = tpu.memref_slice %arg9[%dma_start3A_141] : memref<16384xf32, #tpu.memory_space<vmem>> -> memref<1024xf32, #tpu.memory_space<vmem>>
      tpu.enqueue_dma source(%dma_start3A_142 : memref<1024xf32, #tpu.memory_space<vmem>>) target(%dma_start3A_140 : memref<1024xf32, #tpu.memory_space<hbm>>) target_semaphore(%run_scoped3A : memref<!tpu.dma_semaphore, #tpu.memory_space<semaphore_mem>>)
      %dma_wait3A = arith.constant 0 : i32
      %dma_wait3A_143 = tpu.memref_slice %arg9[%dma_wait3A] : memref<16384xf32, #tpu.memory_space<vmem>> -> memref<1024xf32, #tpu.memory_space<vmem>>
      %dma_wait3A_144 = tpu.memref_slice %arg4[%mul3A_17] : memref<524288xf32, #tpu.memory_space<hbm>> -> memref<1024xf32, #tpu.memory_space<hbm>>
      %dma_wait3A_145 = tpu.memref_slice %arg4[%mul3A_17] : memref<524288xf32, #tpu.memory_space<hbm>> -> memref<1024xf32, #tpu.memory_space<hbm>>
      %dma_wait3A_146 = arith.constant 0 : i32
      %dma_wait3A_147 = tpu.memref_slice %arg9[%dma_wait3A_146] : memref<16384xf32, #tpu.memory_space<vmem>> -> memref<1024xf32, #tpu.memory_space<vmem>>
      tpu.wait_dma2 semaphore(%run_scoped3A : memref<!tpu.dma_semaphore, #tpu.memory_space<semaphore_mem>>) src(%dma_wait3A_147 : memref<1024xf32, #tpu.memory_space<vmem>>) dst(%dma_wait3A_145 : memref<1024xf32, #tpu.memory_space<hbm>>)
      tpu.yield
    }) : () -> ()
    %mul3A_18 = arith.constant 4 : i32
    %mul3A_19 = arith.muli %add3A, %mul3A_18 : i32
    %add3A_20 = arith.constant 1 : i32
    %add3A_21 = arith.addi %mul3A_19, %add3A_20 : i32
    %add3A_22 = arith.constant 0 : i32
    %add3A_23 = arith.addi %add3A_22, %add3A_21 : i32
    %mul3A_24 = arith.constant 1024 : i32
    %mul3A_25 = arith.muli %add3A_23, %mul3A_24 : i32
    "tpu.region"() ({
      %run_scoped3A = tpu.sem_alloc : memref<!tpu.dma_semaphore, #tpu.memory_space<semaphore_mem>>
      %dma_start3A = arith.constant 1024 : i32
      %dma_start3A_138 = tpu.memref_slice %arg9[%dma_start3A] : memref<16384xf32, #tpu.memory_space<vmem>> -> memref<1024xf32, #tpu.memory_space<vmem>>
      %dma_start3A_139 = tpu.memref_slice %arg4[%mul3A_25] : memref<524288xf32, #tpu.memory_space<hbm>> -> memref<1024xf32, #tpu.memory_space<hbm>>
      %dma_start3A_140 = tpu.memref_slice %arg4[%mul3A_25] : memref<524288xf32, #tpu.memory_space<hbm>> -> memref<1024xf32, #tpu.memory_space<hbm>>
      %dma_start3A_141 = arith.constant 1024 : i32
      %dma_start3A_142 = tpu.memref_slice %arg9[%dma_start3A_141] : memref<16384xf32, #tpu.memory_space<vmem>> -> memref<1024xf32, #tpu.memory_space<vmem>>
      tpu.enqueue_dma source(%dma_start3A_142 : memref<1024xf32, #tpu.memory_space<vmem>>) target(%dma_start3A_140 : memref<1024xf32, #tpu.memory_space<hbm>>) target_semaphore(%run_scoped3A : memref<!tpu.dma_semaphore, #tpu.memory_space<semaphore_mem>>)
      %dma_wait3A = arith.constant 1024 : i32
      %dma_wait3A_143 = tpu.memref_slice %arg9[%dma_wait3A] : memref<16384xf32, #tpu.memory_space<vmem>> -> memref<1024xf32, #tpu.memory_space<vmem>>
      %dma_wait3A_144 = tpu.memref_slice %arg4[%mul3A_25] : memref<524288xf32, #tpu.memory_space<hbm>> -> memref<1024xf32, #tpu.memory_space<hbm>>
      %dma_wait3A_145 = tpu.memref_slice %arg4[%mul3A_25] : memref<524288xf32, #tpu.memory_space<hbm>> -> memref<1024xf32, #tpu.memory_space<hbm>>
      %dma_wait3A_146 = arith.constant 1024 : i32
      %dma_wait3A_147 = tpu.memref_slice %arg9[%dma_wait3A_146] : memref<16384xf32, #tpu.memory_space<vmem>> -> memref<1024xf32, #tpu.memory_space<vmem>>
      tpu.wait_dma2 semaphore(%run_scoped3A : memref<!tpu.dma_semaphore, #tpu.memory_space<semaphore_mem>>) src(%dma_wait3A_147 : memref<1024xf32, #tpu.memory_space<vmem>>) dst(%dma_wait3A_145 : memref<1024xf32, #tpu.memory_space<hbm>>)
      tpu.yield
    }) : () -> ()
    %mul3A_26 = arith.constant 4 : i32
    %mul3A_27 = arith.muli %add3A, %mul3A_26 : i32
    %add3A_28 = arith.constant 2 : i32
    %add3A_29 = arith.addi %mul3A_27, %add3A_28 : i32
    %add3A_30 = arith.constant 0 : i32
    %add3A_31 = arith.addi %add3A_30, %add3A_29 : i32
    %mul3A_32 = arith.constant 1024 : i32
    %mul3A_33 = arith.muli %add3A_31, %mul3A_32 : i32
    "tpu.region"() ({
      %run_scoped3A = tpu.sem_alloc : memref<!tpu.dma_semaphore, #tpu.memory_space<semaphore_mem>>
      %dma_start3A = arith.constant 2048 : i32
      %dma_start3A_138 = tpu.memref_slice %arg9[%dma_start3A] : memref<16384xf32, #tpu.memory_space<vmem>> -> memref<1024xf32, #tpu.memory_space<vmem>>
      %dma_start3A_139 = tpu.memref_slice %arg4[%mul3A_33] : memref<524288xf32, #tpu.memory_space<hbm>> -> memref<1024xf32, #tpu.memory_space<hbm>>
      %dma_start3A_140 = tpu.memref_slice %arg4[%mul3A_33] : memref<524288xf32, #tpu.memory_space<hbm>> -> memref<1024xf32, #tpu.memory_space<hbm>>
      %dma_start3A_141 = arith.constant 2048 : i32
      %dma_start3A_142 = tpu.memref_slice %arg9[%dma_start3A_141] : memref<16384xf32, #tpu.memory_space<vmem>> -> memref<1024xf32, #tpu.memory_space<vmem>>
      tpu.enqueue_dma source(%dma_start3A_142 : memref<1024xf32, #tpu.memory_space<vmem>>) target(%dma_start3A_140 : memref<1024xf32, #tpu.memory_space<hbm>>) target_semaphore(%run_scoped3A : memref<!tpu.dma_semaphore, #tpu.memory_space<semaphore_mem>>)
      %dma_wait3A = arith.constant 2048 : i32
      %dma_wait3A_143 = tpu.memref_slice %arg9[%dma_wait3A] : memref<16384xf32, #tpu.memory_space<vmem>> -> memref<1024xf32, #tpu.memory_space<vmem>>
      %dma_wait3A_144 = tpu.memref_slice %arg4[%mul3A_33] : memref<524288xf32, #tpu.memory_space<hbm>> -> memref<1024xf32, #tpu.memory_space<hbm>>
      %dma_wait3A_145 = tpu.memref_slice %arg4[%mul3A_33] : memref<524288xf32, #tpu.memory_space<hbm>> -> memref<1024xf32, #tpu.memory_space<hbm>>
      %dma_wait3A_146 = arith.constant 2048 : i32
      %dma_wait3A_147 = tpu.memref_slice %arg9[%dma_wait3A_146] : memref<16384xf32, #tpu.memory_space<vmem>> -> memref<1024xf32, #tpu.memory_space<vmem>>
      tpu.wait_dma2 semaphore(%run_scoped3A : memref<!tpu.dma_semaphore, #tpu.memory_space<semaphore_mem>>) src(%dma_wait3A_147 : memref<1024xf32, #tpu.memory_space<vmem>>) dst(%dma_wait3A_145 : memref<1024xf32, #tpu.memory_space<hbm>>)
      tpu.yield
    }) : () -> ()
    %mul3A_34 = arith.constant 4 : i32
    %mul3A_35 = arith.muli %add3A, %mul3A_34 : i32
    %add3A_36 = arith.constant 3 : i32
    %add3A_37 = arith.addi %mul3A_35, %add3A_36 : i32
    %add3A_38 = arith.constant 0 : i32
    %add3A_39 = arith.addi %add3A_38, %add3A_37 : i32
    %mul3A_40 = arith.constant 1024 : i32
    %mul3A_41 = arith.muli %add3A_39, %mul3A_40 : i32
    "tpu.region"() ({
      %run_scoped3A = tpu.sem_alloc : memref<!tpu.dma_semaphore, #tpu.memory_space<semaphore_mem>>
      %dma_start3A = arith.constant 3072 : i32
      %dma_start3A_138 = tpu.memref_slice %arg9[%dma_start3A] : memref<16384xf32, #tpu.memory_space<vmem>> -> memref<1024xf32, #tpu.memory_space<vmem>>
      %dma_start3A_139 = tpu.memref_slice %arg4[%mul3A_41] : memref<524288xf32, #tpu.memory_space<hbm>> -> memref<1024xf32, #tpu.memory_space<hbm>>
      %dma_start3A_140 = tpu.memref_slice %arg4[%mul3A_41] : memref<524288xf32, #tpu.memory_space<hbm>> -> memref<1024xf32, #tpu.memory_space<hbm>>
      %dma_start3A_141 = arith.constant 3072 : i32
      %dma_start3A_142 = tpu.memref_slice %arg9[%dma_start3A_141] : memref<16384xf32, #tpu.memory_space<vmem>> -> memref<1024xf32, #tpu.memory_space<vmem>>
      tpu.enqueue_dma source(%dma_start3A_142 : memref<1024xf32, #tpu.memory_space<vmem>>) target(%dma_start3A_140 : memref<1024xf32, #tpu.memory_space<hbm>>) target_semaphore(%run_scoped3A : memref<!tpu.dma_semaphore, #tpu.memory_space<semaphore_mem>>)
      %dma_wait3A = arith.constant 3072 : i32
      %dma_wait3A_143 = tpu.memref_slice %arg9[%dma_wait3A] : memref<16384xf32, #tpu.memory_space<vmem>> -> memref<1024xf32, #tpu.memory_space<vmem>>
      %dma_wait3A_144 = tpu.memref_slice %arg4[%mul3A_41] : memref<524288xf32, #tpu.memory_space<hbm>> -> memref<1024xf32, #tpu.memory_space<hbm>>
      %dma_wait3A_145 = tpu.memref_slice %arg4[%mul3A_41] : memref<524288xf32, #tpu.memory_space<hbm>> -> memref<1024xf32, #tpu.memory_space<hbm>>
      %dma_wait3A_146 = arith.constant 3072 : i32
      %dma_wait3A_147 = tpu.memref_slice %arg9[%dma_wait3A_146] : memref<16384xf32, #tpu.memory_space<vmem>> -> memref<1024xf32, #tpu.memory_space<vmem>>
      tpu.wait_dma2 semaphore(%run_scoped3A : memref<!tpu.dma_semaphore, #tpu.memory_space<semaphore_mem>>) src(%dma_wait3A_147 : memref<1024xf32, #tpu.memory_space<vmem>>) dst(%dma_wait3A_145 : memref<1024xf32, #tpu.memory_space<hbm>>)
      tpu.yield
    }) : () -> ()
    %mul3A_42 = arith.constant 4 : i32
    %mul3A_43 = arith.muli %add3A, %mul3A_42 : i32
    %add3A_44 = arith.constant 0 : i32
    %add3A_45 = arith.addi %mul3A_43, %add3A_44 : i32
    %add3A_46 = arith.constant 128 : i32
    %add3A_47 = arith.addi %add3A_46, %add3A_45 : i32
    %mul3A_48 = arith.constant 1024 : i32
    %mul3A_49 = arith.muli %add3A_47, %mul3A_48 : i32
    "tpu.region"() ({
      %run_scoped3A = tpu.sem_alloc : memref<!tpu.dma_semaphore, #tpu.memory_space<semaphore_mem>>
      %dma_start3A = arith.constant 4096 : i32
      %dma_start3A_138 = tpu.memref_slice %arg9[%dma_start3A] : memref<16384xf32, #tpu.memory_space<vmem>> -> memref<1024xf32, #tpu.memory_space<vmem>>
      %dma_start3A_139 = tpu.memref_slice %arg4[%mul3A_49] : memref<524288xf32, #tpu.memory_space<hbm>> -> memref<1024xf32, #tpu.memory_space<hbm>>
      %dma_start3A_140 = tpu.memref_slice %arg4[%mul3A_49] : memref<524288xf32, #tpu.memory_space<hbm>> -> memref<1024xf32, #tpu.memory_space<hbm>>
      %dma_start3A_141 = arith.constant 4096 : i32
      %dma_start3A_142 = tpu.memref_slice %arg9[%dma_start3A_141] : memref<16384xf32, #tpu.memory_space<vmem>> -> memref<1024xf32, #tpu.memory_space<vmem>>
      tpu.enqueue_dma source(%dma_start3A_142 : memref<1024xf32, #tpu.memory_space<vmem>>) target(%dma_start3A_140 : memref<1024xf32, #tpu.memory_space<hbm>>) target_semaphore(%run_scoped3A : memref<!tpu.dma_semaphore, #tpu.memory_space<semaphore_mem>>)
      %dma_wait3A = arith.constant 4096 : i32
      %dma_wait3A_143 = tpu.memref_slice %arg9[%dma_wait3A] : memref<16384xf32, #tpu.memory_space<vmem>> -> memref<1024xf32, #tpu.memory_space<vmem>>
      %dma_wait3A_144 = tpu.memref_slice %arg4[%mul3A_49] : memref<524288xf32, #tpu.memory_space<hbm>> -> memref<1024xf32, #tpu.memory_space<hbm>>
      %dma_wait3A_145 = tpu.memref_slice %arg4[%mul3A_49] : memref<524288xf32, #tpu.memory_space<hbm>> -> memref<1024xf32, #tpu.memory_space<hbm>>
      %dma_wait3A_146 = arith.constant 4096 : i32
      %dma_wait3A_147 = tpu.memref_slice %arg9[%dma_wait3A_146] : memref<16384xf32, #tpu.memory_space<vmem>> -> memref<1024xf32, #tpu.memory_space<vmem>>
      tpu.wait_dma2 semaphore(%run_scoped3A : memref<!tpu.dma_semaphore, #tpu.memory_space<semaphore_mem>>) src(%dma_wait3A_147 : memref<1024xf32, #tpu.memory_space<vmem>>) dst(%dma_wait3A_145 : memref<1024xf32, #tpu.memory_space<hbm>>)
      tpu.yield
    }) : () -> ()
    %mul3A_50 = arith.constant 4 : i32
    %mul3A_51 = arith.muli %add3A, %mul3A_50 : i32
    %add3A_52 = arith.constant 1 : i32
    %add3A_53 = arith.addi %mul3A_51, %add3A_52 : i32
    %add3A_54 = arith.constant 128 : i32
    %add3A_55 = arith.addi %add3A_54, %add3A_53 : i32
    %mul3A_56 = arith.constant 1024 : i32
    %mul3A_57 = arith.muli %add3A_55, %mul3A_56 : i32
    "tpu.region"() ({
      %run_scoped3A = tpu.sem_alloc : memref<!tpu.dma_semaphore, #tpu.memory_space<semaphore_mem>>
      %dma_start3A = arith.constant 5120 : i32
      %dma_start3A_138 = tpu.memref_slice %arg9[%dma_start3A] : memref<16384xf32, #tpu.memory_space<vmem>> -> memref<1024xf32, #tpu.memory_space<vmem>>
      %dma_start3A_139 = tpu.memref_slice %arg4[%mul3A_57] : memref<524288xf32, #tpu.memory_space<hbm>> -> memref<1024xf32, #tpu.memory_space<hbm>>
      %dma_start3A_140 = tpu.memref_slice %arg4[%mul3A_57] : memref<524288xf32, #tpu.memory_space<hbm>> -> memref<1024xf32, #tpu.memory_space<hbm>>
      %dma_start3A_141 = arith.constant 5120 : i32
      %dma_start3A_142 = tpu.memref_slice %arg9[%dma_start3A_141] : memref<16384xf32, #tpu.memory_space<vmem>> -> memref<1024xf32, #tpu.memory_space<vmem>>
      tpu.enqueue_dma source(%dma_start3A_142 : memref<1024xf32, #tpu.memory_space<vmem>>) target(%dma_start3A_140 : memref<1024xf32, #tpu.memory_space<hbm>>) target_semaphore(%run_scoped3A : memref<!tpu.dma_semaphore, #tpu.memory_space<semaphore_mem>>)
      %dma_wait3A = arith.constant 5120 : i32
      %dma_wait3A_143 = tpu.memref_slice %arg9[%dma_wait3A] : memref<16384xf32, #tpu.memory_space<vmem>> -> memref<1024xf32, #tpu.memory_space<vmem>>
      %dma_wait3A_144 = tpu.memref_slice %arg4[%mul3A_57] : memref<524288xf32, #tpu.memory_space<hbm>> -> memref<1024xf32, #tpu.memory_space<hbm>>
      %dma_wait3A_145 = tpu.memref_slice %arg4[%mul3A_57] : memref<524288xf32, #tpu.memory_space<hbm>> -> memref<1024xf32, #tpu.memory_space<hbm>>
      %dma_wait3A_146 = arith.constant 5120 : i32
      %dma_wait3A_147 = tpu.memref_slice %arg9[%dma_wait3A_146] : memref<16384xf32, #tpu.memory_space<vmem>> -> memref<1024xf32, #tpu.memory_space<vmem>>
      tpu.wait_dma2 semaphore(%run_scoped3A : memref<!tpu.dma_semaphore, #tpu.memory_space<semaphore_mem>>) src(%dma_wait3A_147 : memref<1024xf32, #tpu.memory_space<vmem>>) dst(%dma_wait3A_145 : memref<1024xf32, #tpu.memory_space<hbm>>)
      tpu.yield
    }) : () -> ()
    %mul3A_58 = arith.constant 4 : i32
    %mul3A_59 = arith.muli %add3A, %mul3A_58 : i32
    %add3A_60 = arith.constant 2 : i32
    %add3A_61 = arith.addi %mul3A_59, %add3A_60 : i32
    %add3A_62 = arith.constant 128 : i32
    %add3A_63 = arith.addi %add3A_62, %add3A_61 : i32
    %mul3A_64 = arith.constant 1024 : i32
    %mul3A_65 = arith.muli %add3A_63, %mul3A_64 : i32
    "tpu.region"() ({
      %run_scoped3A = tpu.sem_alloc : memref<!tpu.dma_semaphore, #tpu.memory_space<semaphore_mem>>
      %dma_start3A = arith.constant 6144 : i32
      %dma_start3A_138 = tpu.memref_slice %arg9[%dma_start3A] : memref<16384xf32, #tpu.memory_space<vmem>> -> memref<1024xf32, #tpu.memory_space<vmem>>
      %dma_start3A_139 = tpu.memref_slice %arg4[%mul3A_65] : memref<524288xf32, #tpu.memory_space<hbm>> -> memref<1024xf32, #tpu.memory_space<hbm>>
      %dma_start3A_140 = tpu.memref_slice %arg4[%mul3A_65] : memref<524288xf32, #tpu.memory_space<hbm>> -> memref<1024xf32, #tpu.memory_space<hbm>>
      %dma_start3A_141 = arith.constant 6144 : i32
      %dma_start3A_142 = tpu.memref_slice %arg9[%dma_start3A_141] : memref<16384xf32, #tpu.memory_space<vmem>> -> memref<1024xf32, #tpu.memory_space<vmem>>
      tpu.enqueue_dma source(%dma_start3A_142 : memref<1024xf32, #tpu.memory_space<vmem>>) target(%dma_start3A_140 : memref<1024xf32, #tpu.memory_space<hbm>>) target_semaphore(%run_scoped3A : memref<!tpu.dma_semaphore, #tpu.memory_space<semaphore_mem>>)
      %dma_wait3A = arith.constant 6144 : i32
      %dma_wait3A_143 = tpu.memref_slice %arg9[%dma_wait3A] : memref<16384xf32, #tpu.memory_space<vmem>> -> memref<1024xf32, #tpu.memory_space<vmem>>
      %dma_wait3A_144 = tpu.memref_slice %arg4[%mul3A_65] : memref<524288xf32, #tpu.memory_space<hbm>> -> memref<1024xf32, #tpu.memory_space<hbm>>
      %dma_wait3A_145 = tpu.memref_slice %arg4[%mul3A_65] : memref<524288xf32, #tpu.memory_space<hbm>> -> memref<1024xf32, #tpu.memory_space<hbm>>
      %dma_wait3A_146 = arith.constant 6144 : i32
      %dma_wait3A_147 = tpu.memref_slice %arg9[%dma_wait3A_146] : memref<16384xf32, #tpu.memory_space<vmem>> -> memref<1024xf32, #tpu.memory_space<vmem>>
      tpu.wait_dma2 semaphore(%run_scoped3A : memref<!tpu.dma_semaphore, #tpu.memory_space<semaphore_mem>>) src(%dma_wait3A_147 : memref<1024xf32, #tpu.memory_space<vmem>>) dst(%dma_wait3A_145 : memref<1024xf32, #tpu.memory_space<hbm>>)
      tpu.yield
    }) : () -> ()
    %mul3A_66 = arith.constant 4 : i32
    %mul3A_67 = arith.muli %add3A, %mul3A_66 : i32
    %add3A_68 = arith.constant 3 : i32
    %add3A_69 = arith.addi %mul3A_67, %add3A_68 : i32
    %add3A_70 = arith.constant 128 : i32
    %add3A_71 = arith.addi %add3A_70, %add3A_69 : i32
    %mul3A_72 = arith.constant 1024 : i32
    %mul3A_73 = arith.muli %add3A_71, %mul3A_72 : i32
    "tpu.region"() ({
      %run_scoped3A = tpu.sem_alloc : memref<!tpu.dma_semaphore, #tpu.memory_space<semaphore_mem>>
      %dma_start3A = arith.constant 7168 : i32
      %dma_start3A_138 = tpu.memref_slice %arg9[%dma_start3A] : memref<16384xf32, #tpu.memory_space<vmem>> -> memref<1024xf32, #tpu.memory_space<vmem>>
      %dma_start3A_139 = tpu.memref_slice %arg4[%mul3A_73] : memref<524288xf32, #tpu.memory_space<hbm>> -> memref<1024xf32, #tpu.memory_space<hbm>>
      %dma_start3A_140 = tpu.memref_slice %arg4[%mul3A_73] : memref<524288xf32, #tpu.memory_space<hbm>> -> memref<1024xf32, #tpu.memory_space<hbm>>
      %dma_start3A_141 = arith.constant 7168 : i32
      %dma_start3A_142 = tpu.memref_slice %arg9[%dma_start3A_141] : memref<16384xf32, #tpu.memory_space<vmem>> -> memref<1024xf32, #tpu.memory_space<vmem>>
      tpu.enqueue_dma source(%dma_start3A_142 : memref<1024xf32, #tpu.memory_space<vmem>>) target(%dma_start3A_140 : memref<1024xf32, #tpu.memory_space<hbm>>) target_semaphore(%run_scoped3A : memref<!tpu.dma_semaphore, #tpu.memory_space<semaphore_mem>>)
      %dma_wait3A = arith.constant 7168 : i32
      %dma_wait3A_143 = tpu.memref_slice %arg9[%dma_wait3A] : memref<16384xf32, #tpu.memory_space<vmem>> -> memref<1024xf32, #tpu.memory_space<vmem>>
      %dma_wait3A_144 = tpu.memref_slice %arg4[%mul3A_73] : memref<524288xf32, #tpu.memory_space<hbm>> -> memref<1024xf32, #tpu.memory_space<hbm>>
      %dma_wait3A_145 = tpu.memref_slice %arg4[%mul3A_73] : memref<524288xf32, #tpu.memory_space<hbm>> -> memref<1024xf32, #tpu.memory_space<hbm>>
      %dma_wait3A_146 = arith.constant 7168 : i32
      %dma_wait3A_147 = tpu.memref_slice %arg9[%dma_wait3A_146] : memref<16384xf32, #tpu.memory_space<vmem>> -> memref<1024xf32, #tpu.memory_space<vmem>>
      tpu.wait_dma2 semaphore(%run_scoped3A : memref<!tpu.dma_semaphore, #tpu.memory_space<semaphore_mem>>) src(%dma_wait3A_147 : memref<1024xf32, #tpu.memory_space<vmem>>) dst(%dma_wait3A_145 : memref<1024xf32, #tpu.memory_space<hbm>>)
      tpu.yield
    }) : () -> ()
    %mul3A_74 = arith.constant 4 : i32
    %mul3A_75 = arith.muli %add3A, %mul3A_74 : i32
    %add3A_76 = arith.constant 0 : i32
    %add3A_77 = arith.addi %mul3A_75, %add3A_76 : i32
    %add3A_78 = arith.constant 256 : i32
    %add3A_79 = arith.addi %add3A_78, %add3A_77 : i32
    %mul3A_80 = arith.constant 1024 : i32
    %mul3A_81 = arith.muli %add3A_79, %mul3A_80 : i32
    "tpu.region"() ({
      %run_scoped3A = tpu.sem_alloc : memref<!tpu.dma_semaphore, #tpu.memory_space<semaphore_mem>>
      %dma_start3A = arith.constant 8192 : i32
      %dma_start3A_138 = tpu.memref_slice %arg9[%dma_start3A] : memref<16384xf32, #tpu.memory_space<vmem>> -> memref<1024xf32, #tpu.memory_space<vmem>>
      %dma_start3A_139 = tpu.memref_slice %arg4[%mul3A_81] : memref<524288xf32, #tpu.memory_space<hbm>> -> memref<1024xf32, #tpu.memory_space<hbm>>
      %dma_start3A_140 = tpu.memref_slice %arg4[%mul3A_81] : memref<524288xf32, #tpu.memory_space<hbm>> -> memref<1024xf32, #tpu.memory_space<hbm>>
      %dma_start3A_141 = arith.constant 8192 : i32
      %dma_start3A_142 = tpu.memref_slice %arg9[%dma_start3A_141] : memref<16384xf32, #tpu.memory_space<vmem>> -> memref<1024xf32, #tpu.memory_space<vmem>>
      tpu.enqueue_dma source(%dma_start3A_142 : memref<1024xf32, #tpu.memory_space<vmem>>) target(%dma_start3A_140 : memref<1024xf32, #tpu.memory_space<hbm>>) target_semaphore(%run_scoped3A : memref<!tpu.dma_semaphore, #tpu.memory_space<semaphore_mem>>)
      %dma_wait3A = arith.constant 8192 : i32
      %dma_wait3A_143 = tpu.memref_slice %arg9[%dma_wait3A] : memref<16384xf32, #tpu.memory_space<vmem>> -> memref<1024xf32, #tpu.memory_space<vmem>>
      %dma_wait3A_144 = tpu.memref_slice %arg4[%mul3A_81] : memref<524288xf32, #tpu.memory_space<hbm>> -> memref<1024xf32, #tpu.memory_space<hbm>>
      %dma_wait3A_145 = tpu.memref_slice %arg4[%mul3A_81] : memref<524288xf32, #tpu.memory_space<hbm>> -> memref<1024xf32, #tpu.memory_space<hbm>>
      %dma_wait3A_146 = arith.constant 8192 : i32
      %dma_wait3A_147 = tpu.memref_slice %arg9[%dma_wait3A_146] : memref<16384xf32, #tpu.memory_space<vmem>> -> memref<1024xf32, #tpu.memory_space<vmem>>
      tpu.wait_dma2 semaphore(%run_scoped3A : memref<!tpu.dma_semaphore, #tpu.memory_space<semaphore_mem>>) src(%dma_wait3A_147 : memref<1024xf32, #tpu.memory_space<vmem>>) dst(%dma_wait3A_145 : memref<1024xf32, #tpu.memory_space<hbm>>)
      tpu.yield
    }) : () -> ()
    %mul3A_82 = arith.constant 4 : i32
    %mul3A_83 = arith.muli %add3A, %mul3A_82 : i32
    %add3A_84 = arith.constant 1 : i32
    %add3A_85 = arith.addi %mul3A_83, %add3A_84 : i32
    %add3A_86 = arith.constant 256 : i32
    %add3A_87 = arith.addi %add3A_86, %add3A_85 : i32
    %mul3A_88 = arith.constant 1024 : i32
    %mul3A_89 = arith.muli %add3A_87, %mul3A_88 : i32
    "tpu.region"() ({
      %run_scoped3A = tpu.sem_alloc : memref<!tpu.dma_semaphore, #tpu.memory_space<semaphore_mem>>
      %dma_start3A = arith.constant 9216 : i32
      %dma_start3A_138 = tpu.memref_slice %arg9[%dma_start3A] : memref<16384xf32, #tpu.memory_space<vmem>> -> memref<1024xf32, #tpu.memory_space<vmem>>
      %dma_start3A_139 = tpu.memref_slice %arg4[%mul3A_89] : memref<524288xf32, #tpu.memory_space<hbm>> -> memref<1024xf32, #tpu.memory_space<hbm>>
      %dma_start3A_140 = tpu.memref_slice %arg4[%mul3A_89] : memref<524288xf32, #tpu.memory_space<hbm>> -> memref<1024xf32, #tpu.memory_space<hbm>>
      %dma_start3A_141 = arith.constant 9216 : i32
      %dma_start3A_142 = tpu.memref_slice %arg9[%dma_start3A_141] : memref<16384xf32, #tpu.memory_space<vmem>> -> memref<1024xf32, #tpu.memory_space<vmem>>
      tpu.enqueue_dma source(%dma_start3A_142 : memref<1024xf32, #tpu.memory_space<vmem>>) target(%dma_start3A_140 : memref<1024xf32, #tpu.memory_space<hbm>>) target_semaphore(%run_scoped3A : memref<!tpu.dma_semaphore, #tpu.memory_space<semaphore_mem>>)
      %dma_wait3A = arith.constant 9216 : i32
      %dma_wait3A_143 = tpu.memref_slice %arg9[%dma_wait3A] : memref<16384xf32, #tpu.memory_space<vmem>> -> memref<1024xf32, #tpu.memory_space<vmem>>
      %dma_wait3A_144 = tpu.memref_slice %arg4[%mul3A_89] : memref<524288xf32, #tpu.memory_space<hbm>> -> memref<1024xf32, #tpu.memory_space<hbm>>
      %dma_wait3A_145 = tpu.memref_slice %arg4[%mul3A_89] : memref<524288xf32, #tpu.memory_space<hbm>> -> memref<1024xf32, #tpu.memory_space<hbm>>
      %dma_wait3A_146 = arith.constant 9216 : i32
      %dma_wait3A_147 = tpu.memref_slice %arg9[%dma_wait3A_146] : memref<16384xf32, #tpu.memory_space<vmem>> -> memref<1024xf32, #tpu.memory_space<vmem>>
      tpu.wait_dma2 semaphore(%run_scoped3A : memref<!tpu.dma_semaphore, #tpu.memory_space<semaphore_mem>>) src(%dma_wait3A_147 : memref<1024xf32, #tpu.memory_space<vmem>>) dst(%dma_wait3A_145 : memref<1024xf32, #tpu.memory_space<hbm>>)
      tpu.yield
    }) : () -> ()
    %mul3A_90 = arith.constant 4 : i32
    %mul3A_91 = arith.muli %add3A, %mul3A_90 : i32
    %add3A_92 = arith.constant 2 : i32
    %add3A_93 = arith.addi %mul3A_91, %add3A_92 : i32
    %add3A_94 = arith.constant 256 : i32
    %add3A_95 = arith.addi %add3A_94, %add3A_93 : i32
    %mul3A_96 = arith.constant 1024 : i32
    %mul3A_97 = arith.muli %add3A_95, %mul3A_96 : i32
    "tpu.region"() ({
      %run_scoped3A = tpu.sem_alloc : memref<!tpu.dma_semaphore, #tpu.memory_space<semaphore_mem>>
      %dma_start3A = arith.constant 10240 : i32
      %dma_start3A_138 = tpu.memref_slice %arg9[%dma_start3A] : memref<16384xf32, #tpu.memory_space<vmem>> -> memref<1024xf32, #tpu.memory_space<vmem>>
      %dma_start3A_139 = tpu.memref_slice %arg4[%mul3A_97] : memref<524288xf32, #tpu.memory_space<hbm>> -> memref<1024xf32, #tpu.memory_space<hbm>>
      %dma_start3A_140 = tpu.memref_slice %arg4[%mul3A_97] : memref<524288xf32, #tpu.memory_space<hbm>> -> memref<1024xf32, #tpu.memory_space<hbm>>
      %dma_start3A_141 = arith.constant 10240 : i32
      %dma_start3A_142 = tpu.memref_slice %arg9[%dma_start3A_141] : memref<16384xf32, #tpu.memory_space<vmem>> -> memref<1024xf32, #tpu.memory_space<vmem>>
      tpu.enqueue_dma source(%dma_start3A_142 : memref<1024xf32, #tpu.memory_space<vmem>>) target(%dma_start3A_140 : memref<1024xf32, #tpu.memory_space<hbm>>) target_semaphore(%run_scoped3A : memref<!tpu.dma_semaphore, #tpu.memory_space<semaphore_mem>>)
      %dma_wait3A = arith.constant 10240 : i32
      %dma_wait3A_143 = tpu.memref_slice %arg9[%dma_wait3A] : memref<16384xf32, #tpu.memory_space<vmem>> -> memref<1024xf32, #tpu.memory_space<vmem>>
      %dma_wait3A_144 = tpu.memref_slice %arg4[%mul3A_97] : memref<524288xf32, #tpu.memory_space<hbm>> -> memref<1024xf32, #tpu.memory_space<hbm>>
      %dma_wait3A_145 = tpu.memref_slice %arg4[%mul3A_97] : memref<524288xf32, #tpu.memory_space<hbm>> -> memref<1024xf32, #tpu.memory_space<hbm>>
      %dma_wait3A_146 = arith.constant 10240 : i32
      %dma_wait3A_147 = tpu.memref_slice %arg9[%dma_wait3A_146] : memref<16384xf32, #tpu.memory_space<vmem>> -> memref<1024xf32, #tpu.memory_space<vmem>>
      tpu.wait_dma2 semaphore(%run_scoped3A : memref<!tpu.dma_semaphore, #tpu.memory_space<semaphore_mem>>) src(%dma_wait3A_147 : memref<1024xf32, #tpu.memory_space<vmem>>) dst(%dma_wait3A_145 : memref<1024xf32, #tpu.memory_space<hbm>>)
      tpu.yield
    }) : () -> ()
    %mul3A_98 = arith.constant 4 : i32
    %mul3A_99 = arith.muli %add3A, %mul3A_98 : i32
    %add3A_100 = arith.constant 3 : i32
    %add3A_101 = arith.addi %mul3A_99, %add3A_100 : i32
    %add3A_102 = arith.constant 256 : i32
    %add3A_103 = arith.addi %add3A_102, %add3A_101 : i32
    %mul3A_104 = arith.constant 1024 : i32
    %mul3A_105 = arith.muli %add3A_103, %mul3A_104 : i32
    "tpu.region"() ({
      %run_scoped3A = tpu.sem_alloc : memref<!tpu.dma_semaphore, #tpu.memory_space<semaphore_mem>>
      %dma_start3A = arith.constant 11264 : i32
      %dma_start3A_138 = tpu.memref_slice %arg9[%dma_start3A] : memref<16384xf32, #tpu.memory_space<vmem>> -> memref<1024xf32, #tpu.memory_space<vmem>>
      %dma_start3A_139 = tpu.memref_slice %arg4[%mul3A_105] : memref<524288xf32, #tpu.memory_space<hbm>> -> memref<1024xf32, #tpu.memory_space<hbm>>
      %dma_start3A_140 = tpu.memref_slice %arg4[%mul3A_105] : memref<524288xf32, #tpu.memory_space<hbm>> -> memref<1024xf32, #tpu.memory_space<hbm>>
      %dma_start3A_141 = arith.constant 11264 : i32
      %dma_start3A_142 = tpu.memref_slice %arg9[%dma_start3A_141] : memref<16384xf32, #tpu.memory_space<vmem>> -> memref<1024xf32, #tpu.memory_space<vmem>>
      tpu.enqueue_dma source(%dma_start3A_142 : memref<1024xf32, #tpu.memory_space<vmem>>) target(%dma_start3A_140 : memref<1024xf32, #tpu.memory_space<hbm>>) target_semaphore(%run_scoped3A : memref<!tpu.dma_semaphore, #tpu.memory_space<semaphore_mem>>)
      %dma_wait3A = arith.constant 11264 : i32
      %dma_wait3A_143 = tpu.memref_slice %arg9[%dma_wait3A] : memref<16384xf32, #tpu.memory_space<vmem>> -> memref<1024xf32, #tpu.memory_space<vmem>>
      %dma_wait3A_144 = tpu.memref_slice %arg4[%mul3A_105] : memref<524288xf32, #tpu.memory_space<hbm>> -> memref<1024xf32, #tpu.memory_space<hbm>>
      %dma_wait3A_145 = tpu.memref_slice %arg4[%mul3A_105] : memref<524288xf32, #tpu.memory_space<hbm>> -> memref<1024xf32, #tpu.memory_space<hbm>>
      %dma_wait3A_146 = arith.constant 11264 : i32
      %dma_wait3A_147 = tpu.memref_slice %arg9[%dma_wait3A_146] : memref<16384xf32, #tpu.memory_space<vmem>> -> memref<1024xf32, #tpu.memory_space<vmem>>
      tpu.wait_dma2 semaphore(%run_scoped3A : memref<!tpu.dma_semaphore, #tpu.memory_space<semaphore_mem>>) src(%dma_wait3A_147 : memref<1024xf32, #tpu.memory_space<vmem>>) dst(%dma_wait3A_145 : memref<1024xf32, #tpu.memory_space<hbm>>)
      tpu.yield
    }) : () -> ()
    %mul3A_106 = arith.constant 4 : i32
    %mul3A_107 = arith.muli %add3A, %mul3A_106 : i32
    %add3A_108 = arith.constant 0 : i32
    %add3A_109 = arith.addi %mul3A_107, %add3A_108 : i32
    %add3A_110 = arith.constant 384 : i32
    %add3A_111 = arith.addi %add3A_110, %add3A_109 : i32
    %mul3A_112 = arith.constant 1024 : i32
    %mul3A_113 = arith.muli %add3A_111, %mul3A_112 : i32
    "tpu.region"() ({
      %run_scoped3A = tpu.sem_alloc : memref<!tpu.dma_semaphore, #tpu.memory_space<semaphore_mem>>
      %dma_start3A = arith.constant 12288 : i32
      %dma_start3A_138 = tpu.memref_slice %arg9[%dma_start3A] : memref<16384xf32, #tpu.memory_space<vmem>> -> memref<1024xf32, #tpu.memory_space<vmem>>
      %dma_start3A_139 = tpu.memref_slice %arg4[%mul3A_113] : memref<524288xf32, #tpu.memory_space<hbm>> -> memref<1024xf32, #tpu.memory_space<hbm>>
      %dma_start3A_140 = tpu.memref_slice %arg4[%mul3A_113] : memref<524288xf32, #tpu.memory_space<hbm>> -> memref<1024xf32, #tpu.memory_space<hbm>>
      %dma_start3A_141 = arith.constant 12288 : i32
      %dma_start3A_142 = tpu.memref_slice %arg9[%dma_start3A_141] : memref<16384xf32, #tpu.memory_space<vmem>> -> memref<1024xf32, #tpu.memory_space<vmem>>
      tpu.enqueue_dma source(%dma_start3A_142 : memref<1024xf32, #tpu.memory_space<vmem>>) target(%dma_start3A_140 : memref<1024xf32, #tpu.memory_space<hbm>>) target_semaphore(%run_scoped3A : memref<!tpu.dma_semaphore, #tpu.memory_space<semaphore_mem>>)
      %dma_wait3A = arith.constant 12288 : i32
      %dma_wait3A_143 = tpu.memref_slice %arg9[%dma_wait3A] : memref<16384xf32, #tpu.memory_space<vmem>> -> memref<1024xf32, #tpu.memory_space<vmem>>
      %dma_wait3A_144 = tpu.memref_slice %arg4[%mul3A_113] : memref<524288xf32, #tpu.memory_space<hbm>> -> memref<1024xf32, #tpu.memory_space<hbm>>
      %dma_wait3A_145 = tpu.memref_slice %arg4[%mul3A_113] : memref<524288xf32, #tpu.memory_space<hbm>> -> memref<1024xf32, #tpu.memory_space<hbm>>
      %dma_wait3A_146 = arith.constant 12288 : i32
      %dma_wait3A_147 = tpu.memref_slice %arg9[%dma_wait3A_146] : memref<16384xf32, #tpu.memory_space<vmem>> -> memref<1024xf32, #tpu.memory_space<vmem>>
      tpu.wait_dma2 semaphore(%run_scoped3A : memref<!tpu.dma_semaphore, #tpu.memory_space<semaphore_mem>>) src(%dma_wait3A_147 : memref<1024xf32, #tpu.memory_space<vmem>>) dst(%dma_wait3A_145 : memref<1024xf32, #tpu.memory_space<hbm>>)
      tpu.yield
    }) : () -> ()
    %mul3A_114 = arith.constant 4 : i32
    %mul3A_115 = arith.muli %add3A, %mul3A_114 : i32
    %add3A_116 = arith.constant 1 : i32
    %add3A_117 = arith.addi %mul3A_115, %add3A_116 : i32
    %add3A_118 = arith.constant 384 : i32
    %add3A_119 = arith.addi %add3A_118, %add3A_117 : i32
    %mul3A_120 = arith.constant 1024 : i32
    %mul3A_121 = arith.muli %add3A_119, %mul3A_120 : i32
    "tpu.region"() ({
      %run_scoped3A = tpu.sem_alloc : memref<!tpu.dma_semaphore, #tpu.memory_space<semaphore_mem>>
      %dma_start3A = arith.constant 13312 : i32
      %dma_start3A_138 = tpu.memref_slice %arg9[%dma_start3A] : memref<16384xf32, #tpu.memory_space<vmem>> -> memref<1024xf32, #tpu.memory_space<vmem>>
      %dma_start3A_139 = tpu.memref_slice %arg4[%mul3A_121] : memref<524288xf32, #tpu.memory_space<hbm>> -> memref<1024xf32, #tpu.memory_space<hbm>>
      %dma_start3A_140 = tpu.memref_slice %arg4[%mul3A_121] : memref<524288xf32, #tpu.memory_space<hbm>> -> memref<1024xf32, #tpu.memory_space<hbm>>
      %dma_start3A_141 = arith.constant 13312 : i32
      %dma_start3A_142 = tpu.memref_slice %arg9[%dma_start3A_141] : memref<16384xf32, #tpu.memory_space<vmem>> -> memref<1024xf32, #tpu.memory_space<vmem>>
      tpu.enqueue_dma source(%dma_start3A_142 : memref<1024xf32, #tpu.memory_space<vmem>>) target(%dma_start3A_140 : memref<1024xf32, #tpu.memory_space<hbm>>) target_semaphore(%run_scoped3A : memref<!tpu.dma_semaphore, #tpu.memory_space<semaphore_mem>>)
      %dma_wait3A = arith.constant 13312 : i32
      %dma_wait3A_143 = tpu.memref_slice %arg9[%dma_wait3A] : memref<16384xf32, #tpu.memory_space<vmem>> -> memref<1024xf32, #tpu.memory_space<vmem>>
      %dma_wait3A_144 = tpu.memref_slice %arg4[%mul3A_121] : memref<524288xf32, #tpu.memory_space<hbm>> -> memref<1024xf32, #tpu.memory_space<hbm>>
      %dma_wait3A_145 = tpu.memref_slice %arg4[%mul3A_121] : memref<524288xf32, #tpu.memory_space<hbm>> -> memref<1024xf32, #tpu.memory_space<hbm>>
      %dma_wait3A_146 = arith.constant 13312 : i32
      %dma_wait3A_147 = tpu.memref_slice %arg9[%dma_wait3A_146] : memref<16384xf32, #tpu.memory_space<vmem>> -> memref<1024xf32, #tpu.memory_space<vmem>>
      tpu.wait_dma2 semaphore(%run_scoped3A : memref<!tpu.dma_semaphore, #tpu.memory_space<semaphore_mem>>) src(%dma_wait3A_147 : memref<1024xf32, #tpu.memory_space<vmem>>) dst(%dma_wait3A_145 : memref<1024xf32, #tpu.memory_space<hbm>>)
      tpu.yield
    }) : () -> ()
    %mul3A_122 = arith.constant 4 : i32
    %mul3A_123 = arith.muli %add3A, %mul3A_122 : i32
    %add3A_124 = arith.constant 2 : i32
    %add3A_125 = arith.addi %mul3A_123, %add3A_124 : i32
    %add3A_126 = arith.constant 384 : i32
    %add3A_127 = arith.addi %add3A_126, %add3A_125 : i32
    %mul3A_128 = arith.constant 1024 : i32
    %mul3A_129 = arith.muli %add3A_127, %mul3A_128 : i32
    "tpu.region"() ({
      %run_scoped3A = tpu.sem_alloc : memref<!tpu.dma_semaphore, #tpu.memory_space<semaphore_mem>>
      %dma_start3A = arith.constant 14336 : i32
      %dma_start3A_138 = tpu.memref_slice %arg9[%dma_start3A] : memref<16384xf32, #tpu.memory_space<vmem>> -> memref<1024xf32, #tpu.memory_space<vmem>>
      %dma_start3A_139 = tpu.memref_slice %arg4[%mul3A_129] : memref<524288xf32, #tpu.memory_space<hbm>> -> memref<1024xf32, #tpu.memory_space<hbm>>
      %dma_start3A_140 = tpu.memref_slice %arg4[%mul3A_129] : memref<524288xf32, #tpu.memory_space<hbm>> -> memref<1024xf32, #tpu.memory_space<hbm>>
      %dma_start3A_141 = arith.constant 14336 : i32
      %dma_start3A_142 = tpu.memref_slice %arg9[%dma_start3A_141] : memref<16384xf32, #tpu.memory_space<vmem>> -> memref<1024xf32, #tpu.memory_space<vmem>>
      tpu.enqueue_dma source(%dma_start3A_142 : memref<1024xf32, #tpu.memory_space<vmem>>) target(%dma_start3A_140 : memref<1024xf32, #tpu.memory_space<hbm>>) target_semaphore(%run_scoped3A : memref<!tpu.dma_semaphore, #tpu.memory_space<semaphore_mem>>)
      %dma_wait3A = arith.constant 14336 : i32
      %dma_wait3A_143 = tpu.memref_slice %arg9[%dma_wait3A] : memref<16384xf32, #tpu.memory_space<vmem>> -> memref<1024xf32, #tpu.memory_space<vmem>>
      %dma_wait3A_144 = tpu.memref_slice %arg4[%mul3A_129] : memref<524288xf32, #tpu.memory_space<hbm>> -> memref<1024xf32, #tpu.memory_space<hbm>>
      %dma_wait3A_145 = tpu.memref_slice %arg4[%mul3A_129] : memref<524288xf32, #tpu.memory_space<hbm>> -> memref<1024xf32, #tpu.memory_space<hbm>>
      %dma_wait3A_146 = arith.constant 14336 : i32
      %dma_wait3A_147 = tpu.memref_slice %arg9[%dma_wait3A_146] : memref<16384xf32, #tpu.memory_space<vmem>> -> memref<1024xf32, #tpu.memory_space<vmem>>
      tpu.wait_dma2 semaphore(%run_scoped3A : memref<!tpu.dma_semaphore, #tpu.memory_space<semaphore_mem>>) src(%dma_wait3A_147 : memref<1024xf32, #tpu.memory_space<vmem>>) dst(%dma_wait3A_145 : memref<1024xf32, #tpu.memory_space<hbm>>)
      tpu.yield
    }) : () -> ()
    %mul3A_130 = arith.constant 4 : i32
    %mul3A_131 = arith.muli %add3A, %mul3A_130 : i32
    %add3A_132 = arith.constant 3 : i32
    %add3A_133 = arith.addi %mul3A_131, %add3A_132 : i32
    %add3A_134 = arith.constant 384 : i32
    %add3A_135 = arith.addi %add3A_134, %add3A_133 : i32
    %mul3A_136 = arith.constant 1024 : i32
    %mul3A_137 = arith.muli %add3A_135, %mul3A_136 : i32
    "tpu.region"() ({
      %run_scoped3A = tpu.sem_alloc : memref<!tpu.dma_semaphore, #tpu.memory_space<semaphore_mem>>
      %dma_start3A = arith.constant 15360 : i32
      %dma_start3A_138 = tpu.memref_slice %arg9[%dma_start3A] : memref<16384xf32, #tpu.memory_space<vmem>> -> memref<1024xf32, #tpu.memory_space<vmem>>
      %dma_start3A_139 = tpu.memref_slice %arg4[%mul3A_137] : memref<524288xf32, #tpu.memory_space<hbm>> -> memref<1024xf32, #tpu.memory_space<hbm>>
      %dma_start3A_140 = tpu.memref_slice %arg4[%mul3A_137] : memref<524288xf32, #tpu.memory_space<hbm>> -> memref<1024xf32, #tpu.memory_space<hbm>>
      %dma_start3A_141 = arith.constant 15360 : i32
      %dma_start3A_142 = tpu.memref_slice %arg9[%dma_start3A_141] : memref<16384xf32, #tpu.memory_space<vmem>> -> memref<1024xf32, #tpu.memory_space<vmem>>
      tpu.enqueue_dma source(%dma_start3A_142 : memref<1024xf32, #tpu.memory_space<vmem>>) target(%dma_start3A_140 : memref<1024xf32, #tpu.memory_space<hbm>>) target_semaphore(%run_scoped3A : memref<!tpu.dma_semaphore, #tpu.memory_space<semaphore_mem>>)
      %dma_wait3A = arith.constant 15360 : i32
      %dma_wait3A_143 = tpu.memref_slice %arg9[%dma_wait3A] : memref<16384xf32, #tpu.memory_space<vmem>> -> memref<1024xf32, #tpu.memory_space<vmem>>
      %dma_wait3A_144 = tpu.memref_slice %arg4[%mul3A_137] : memref<524288xf32, #tpu.memory_space<hbm>> -> memref<1024xf32, #tpu.memory_space<hbm>>
      %dma_wait3A_145 = tpu.memref_slice %arg4[%mul3A_137] : memref<524288xf32, #tpu.memory_space<hbm>> -> memref<1024xf32, #tpu.memory_space<hbm>>
      %dma_wait3A_146 = arith.constant 15360 : i32
      %dma_wait3A_147 = tpu.memref_slice %arg9[%dma_wait3A_146] : memref<16384xf32, #tpu.memory_space<vmem>> -> memref<1024xf32, #tpu.memory_space<vmem>>
      tpu.wait_dma2 semaphore(%run_scoped3A : memref<!tpu.dma_semaphore, #tpu.memory_space<semaphore_mem>>) src(%dma_wait3A_147 : memref<1024xf32, #tpu.memory_space<vmem>>) dst(%dma_wait3A_145 : memref<1024xf32, #tpu.memory_space<hbm>>)
      tpu.yield
    }) : () -> ()
    return
  }
}

</mosaic_0001>

<sc_bundles>
// kernel: kernel.3.cloned.1.call-start
scs
__scs_entry_jumppad:
0x0: {  	(pc) =	sbr.rel $0x88, $3  }
0x1: {  	(tag) =	ssettag $0x0;
	lr =	simm.s32 $0x1  }
0x2: {  	[smem:$0x3F9F] =	sst lr;
	_ =	strace $0xD0000000  }
0x3: {  	_ = 	snop  }
0x4: {  	_ = 	snop  }
0x5: {  	_ = 	snop  }
0x6: {  	_ = 	snop  }
0x7: {  	_ = 	snop  }
__scs_overlays_trampoline_lowered:
0x8: {  	[smem:$0x3FAE] =	sst s0  }
0x9: {  	[smem:$0x3FAF] =	sst s1  }
0xa: {  	[smem:$0x3FB0] =	sst s2  }
0xb: {  	[smem:$0x3FB1] =	sst s3  }
0xc: {  	[smem:$0x3FB2] =	sst s4  }
0xd: {  	[smem:$0x3FB3] =	sst s5  }
0xe: {  	[smem:$0x3FB4] =	sst s6  }
0xf: {  	[smem:$0x3FB5] =	sst s7  }
0x10: {  	[smem:$0x3FB6] =	sst s8  }
0x11: {  	[smem:$0x3FB7] =	sst s9;
	s0 =	simm.s32 @!p0 $0x0  }
0x12: {  	s1 =	sld [smem:$0x3F9D];
	s0 =	simm.s32 @p0 $0x1  }
0x13: {  	[smem:$0x3FB8] =	sst s0;
	s0 =	simm.s32 @!p1 $0x0  }
0x14: {  	s2 =	sld [smem:$0x3F9C];
	s0 =	simm.s32 @p1 $0x1  }
0x15: {  	[smem:$0x3FB9] =	sst s0;
	s0 =	simm.s32 @!p2 $0x0  }
0x16: {  	s3 =	sld [smem:$0x3FDB];
	s0 =	simm.s32 @p2 $0x1  }
0x17: {  	s4 =	simm.s32 $0x1BF5;
	[smem:$0x3FBB] =	sst s0  }
0x18: {  	s0 =	sld [smem:$0x3F9E];
	_ =	swait.ge [sflag:s4], $0x0  }
0x19: {  	s7 =	sld [smem:$0x3F9F]  }
0x1a: {  	s8 =	sadd.s32 $0xFFFFE003, lr  }
0x1b: {  	s9 =	sadd.s32 $0xFFFFFEF7, lr;
	s5 =	simm.s32 $0xFFFFFFFF;
	p2 =	slt.u32 s8, $0xFFFFF086  }
0x1c: {  	p1 =	slt.u32 s9, $0xF7A;
	s5 =	simm.s32 @!p2 $0x0  }
0x1d: {  	s5 =	simm.s32 @p1 $0x1;
	p0 =	seq.s32 s7, s2  }
0x1e: {  	s7 =	smul.u32 @!p0 $0xF7A, s2;
	p2 =	seq.s32 @!p0 s5, $0x0  }
0x1f: {  	s9 =	smul.u32 $0xF7A, s1;
	s8 =	simm.s32 @!p0 $0x1BF5;
	p2 =	por !p2, p0  }
0x20: {  	[sflag:s8] =	ssyncset.s32 @!p0 $0xFFFFF086;
	s6 =	sadd.s32 @!p0 s3, s7;
	s7 =	simm.s32 @!p0 $0x108  }
0x21: {  	s3 =	sadd.s32 s3, s9;
	s6 =	sadd.s32 @!p0 $0x88, s6;
	s7 =	simm.s32 @p2 $0x1082  }
0x22: {  	[simem:s7], [sflag:s8] =	dma.local @!p0 [hbm:s6], $0xF7A  }
0x23: {  	s9 =	sor.u32 $0xD0000000, s2;
	s6 =	simm.s32 $0x108;
	_ =	swait.ge @!p0 [sflag:s8], $0x0  }
0x24: {  	s3 =	sadd.s32 $0x88, s3;
	s6 =	simm.s32 @!p1 $0x1082;
	[sflag:s4] =	ssyncset.s32 $0xFFFFF086  }
0x25: {  	[simem:s6], [sflag:s4] =	dma.local [hbm:s3], $0xF7A  }
0x26: {  	[smem:$0x3F9F] =	sst s1;
	(tag) =	ssettag s2;
	_ =	strace s9  }
0x27: {  	s1 =	sld [smem:$0x3FAF]  }
0x28: {  	s2 =	sld [smem:$0x3FB0]  }
0x29: {  	s4 =	sld [smem:$0x3FB2]  }
0x2a: {  	p0 =	seq.s32 s5, $0x0;
	s5 =	sld [smem:$0x3FB3]  }
0x2b: {  	s6 =	sld [smem:$0x3FB4]  }
0x2c: {  	s7 =	sld [smem:$0x3FB5]  }
0x2d: {  	s3 =	simm.s32 $0x108;
	s8 =	sld [smem:$0x3FB6]  }
0x2e: {  	s3 =	simm.s32 @!p0 $0x1082;
	s9 =	sld [smem:$0x3FB7]  }
0x2f: {  	lr =	sadd.s32 s0, s3;
	s0 =	sld [smem:$0x3FAE]  }
0x30: {  	s3 =	sld [smem:$0x3FB1]  }
0x31: {  	[smem:$0x3FBA] =	sst s10  }
0x32: {  	s10 =	sld [smem:$0x3FB8];
	_ =	sdelay $0x3  }
0x33: {  	p0 =	seq.s32 s10, $0x1;
	s10 =	sld [smem:$0x3FBA];
	_ =	sdelay $0x3  }
0x34: {  	[smem:$0x3FBA] =	sst s10  }
0x35: {  	s10 =	sld [smem:$0x3FB9];
	_ =	sdelay $0x3  }
0x36: {  	p1 =	seq.s32 s10, $0x1;
	s10 =	sld [smem:$0x3FBA];
	_ =	sdelay $0x3  }
0x37: {  	[smem:$0x3FBA] =	sst s10  }
0x38: {  	s10 =	sld [smem:$0x3FBB]  }
0x39: {  	_ = 	snop;
	(pc) =	sbr.ind lr, $3  }
0x3a: {  	_ = 	snop  }
0x3b: {  	_ = 	snop  }
0x3c: {  	p2 =	seq.s32 s10, $0x1;
	s10 =	sld [smem:$0x3FBA]  }
0x3d: {  	_ =	shalt  }
0x3e: {  	_ =	shalt  }
0x3f: {  	_ =	shalt  }
0x40: {  	_ =	shalt  }
0x41: {  	_ =	shalt  }
0x42: {  	_ =	shalt  }
0x43: {  	_ =	shalt  }
0x44: {  	_ =	shalt  }
0x45: {  	_ =	shalt  }
0x46: {  	_ =	shalt  }
0x47: {  	_ =	shalt  }
0x48: {  	_ =	shalt  }
0x49: {  	_ =	shalt  }
0x4a: {  	_ =	shalt  }
0x4b: {  	_ =	shalt  }
0x4c: {  	_ =	shalt  }
0x4d: {  	_ =	shalt  }
0x4e: {  	_ =	shalt  }
0x4f: {  	_ =	shalt  }
0x50: {  	_ =	shalt  }
0x51: {  	_ =	shalt  }
0x52: {  	_ =	shalt  }
0x53: {  	_ =	shalt  }
0x54: {  	_ =	shalt  }
0x55: {  	_ =	shalt  }
0x56: {  	_ =	shalt  }
0x57: {  	_ =	shalt  }
0x58: {  	_ =	shalt  }
0x59: {  	_ =	shalt  }
0x5a: {  	_ =	shalt  }
0x5b: {  	_ =	shalt  }
0x5c: {  	_ =	shalt  }
0x5d: {  	_ =	shalt  }
0x5e: {  	_ =	shalt  }
0x5f: {  	_ =	shalt  }
0x60: {  	_ =	shalt  }
0x61: {  	_ =	shalt  }
0x62: {  	_ =	shalt  }
0x63: {  	_ =	shalt  }
0x64: {  	_ =	shalt  }
0x65: {  	_ =	shalt  }
0x66: {  	_ =	shalt  }
0x67: {  	_ =	shalt  }
0x68: {  	_ =	shalt  }
0x69: {  	_ =	shalt  }
0x6a: {  	_ =	shalt  }
0x6b: {  	_ =	shalt  }
0x6c: {  	_ =	shalt  }
0x6d: {  	_ =	shalt  }
0x6e: {  	_ =	shalt  }
0x6f: {  	_ =	shalt  }
0x70: {  	_ =	shalt  }
0x71: {  	_ =	shalt  }
0x72: {  	_ =	shalt  }
0x73: {  	_ =	shalt  }
0x74: {  	_ =	shalt  }
0x75: {  	_ =	shalt  }
0x76: {  	_ =	shalt  }
0x77: {  	_ =	shalt  }
0x78: {  	_ =	shalt  }
0x79: {  	_ =	shalt  }
0x7a: {  	_ =	shalt  }
0x7b: {  	_ =	shalt  }
0x7c: {  	_ =	shalt  }
0x7d: {  	_ =	shalt  }
0x7e: {  	_ =	shalt  }
0x7f: {  	_ =	shalt  }
0x80: {  	_ =	shalt  }
0x81: {  	_ =	shalt  }
0x82: {  	_ =	shalt  }
0x83: {  	_ =	shalt  }
0x84: {  	_ =	shalt  }
0x85: {  	_ =	shalt  }
0x86: {  	_ =	shalt  }
0x87: {  	_ =	shalt  }
.Lfunc_end0:
.L_simem_size_0:
called_computation_lowered:
.L_overlay_start_0:
0x88: {  	s2 =	sld [smem:$0x3FD9]  }
0x89: {  	s3 =	sld [smem:$0x3FFE];
	_ =	sdelay $0x1  }
0x8a: {  	s1 =	srdreg.scid  }
0x8b: {  	s0 =	sand.u32 $0x1, s1  }
0x8c: {  	s17 =	sshll.u32 s0, $0xA;
	s2 =	sadd.s32 s3, s2  }
0x8d: {  	s2 =	sadd.s32 s2, s17  }
0x8e: {  	[smem:$0x3FC6] =	sst s2  }
0x8f: {  	_ = 	snop  }
0x90: {  	s2 =	sld [smem:$0x3FC8]  }
0x91: {  	s18 =	sld [smem:$0x3FD0];
	(tm) =	ssettm $0x1  }
0x92: {  	s4 =	sld [smem:$0x3FFB];
	_ =	sdelay $0x3  }
0x93: {  	_ =	strace s4  }
0x94: {  	s4 =	sld [smem:$0x3FFC];
	_ =	sdelay $0x3  }
0x95: {  	_ =	strace s4  }
0x96: {  	s4 =	sld [smem:$0x3FFD];
	_ =	sdelay $0x3  }
0x97: {  	_ =	strace s4  }
0x98: {  	_ =	strace $0x8FFFFFFF  }
0x99: {  	s19 =	sld [smem:$0x3FDB];
	_ =	sdelay $0x1  }
0x9a: {  	s5 =	simm.s32 $_scs_section_size  }
0x9b: {  	s6 =	simm.s32 $_size__tile_overlayer_lowered;
	s7 =	simm.s32 $_tile_overlayer_lowered  }
0x9c: {  	s22 =	simm.s32 $0x1BFF;
	s21 =	sshll.u32 s7, $0x1;
	s4 =	sadd.s32 s5, s19  }
0x9d: {  	s8 =	simm.s32 $0x0;
	s20 =	sshll.u32 s6, $0x1;
	s6 =	sadd.s32 s21, s4  }
0x9e: {  	[timem:s8], [sflag:s22] =	dma.local [hbm:s6], s20  }
0x9f: {  	_ =	swait.ge [sflag:s22], s20  }
0xa0: {  	s5 =	ssub.s32 $0x0, s20;
	[sflag:s22] =	ssyncset.done $0x0  }
0xa1: {  	[sflag:s22] =	ssyncadd.s32 s5;
	_ =	sdelay $0x1  }
0xa2: {  	s23 =	simm.s32 $0x1B8B  }
0xa3: {  	_ =	swait.ge [sflag:s23], $0x1  }
0xa4: {  	[sflag:s23] =	ssyncset.done $0x0  }
0xa5: {  	s25 =	simm.s32 $0x1B8E;
	s24 =	sld [smem:$0x3FFE];
	[sflag:s23] =	ssyncadd.s32 $0xFFFFFFFF  }
0xa6: {  	s26 =	simm.s32 $execute0_lowered;
	[smem:$0x3FD2] =	sst s25  }
0xa7: {  	s6 =	sshll.u32 s26, $0x1;
	_ =	strace $0x80000046;
	[dreg:$0x1] =	wrdreg $0xFFFFFFFF  }
0xa8: {  	s28 =	simm.s32 $_size_execute0_lowered;
	s4 =	sadd.s32 s4, s6;
	[dreg:$0x0] =	wrdreg $0x0  }
0xa9: {  	s6 =	sshll.u32 s28, $0x1;
	[dreg:$0x2] =	wrdreg s4  }
0xaa: {  	[dreg:$0x3] =	wrdreg s6  }
0xab: {  	[dreg:$0x4] =	wrdreg $0xC0  }
0xac: {  	_ =	task [dreg:s8], $0x5FFFF  }
0xad: {  	[dreg:$0x1] =	wrdreg $0xFFFFFFFF  }
0xae: {  	[dreg:$0x0] =	wrdreg $0x60  }
0xaf: {  	[dreg:$0x2] =	wrdreg s24  }
0xb0: {  	[dreg:$0x3] =	wrdreg s2  }
0xb1: {  	[dreg:$0x4] =	wrdreg s18  }
0xb2: {  	[dreg:$0x5] =	wrdreg $0x9  }
0xb3: {  	_ =	task.clear_ibuf [dreg:s8], $0x6FFFF;
	_ =	strace $0x90000046  }
0xb4: {  	s29 =	simm.s32 $0x9;
	_ =	strace $0x80000048  }
0xb5: {  	_ =	swait.ge [sflag:s29], $0x1  }
0xb6: {  	[sflag:s29] =	ssyncadd.s32 $0xFFFFFFFF  }
0xb7: {  	_ =	strace $0x90000048  }
0xb8: {  	_ =	sfence  }
0xb9: {  	s30 =	sld [smem:$0x0];
	_ =	sdelay $0x2  }
0xba: {  	s31 =	sshll.u32 s1, $0xD;
	s1 =	sshrl.u32 s1, $0x2  }
0xbb: {  	s3 =	sand.u32 $0x4000, s31;
	s1 =	sadd.s32 s1, s30  }
0xbc: {  	s0 =	sor.u32 s3, s0;
	s1 =	sshll.u32 s1, $0x11  }
0xbd: {  	s0 =	sor.u32 s1, s0  }
0xbe: {  	s0 =	sadd.s32 $0x8F2B, s0  }
0xbf: {  	[sflag:s0] =	ssyncadd.remote.s32 $0x1  }
0xc0: {  	_ =	sfence.sel $0xFFFF  }
0xc1: {  	[dreg:$0x0] =	wrdreg $0xFFFFFFFF;
	(pc) =	sbr.abs _section_cstart, $3  }
0xc2: {  	[dreg:$0x1] =	wrdreg $0xFFFFFFFF  }
0xc3: {  	_ =	task.clear_ibuf [dreg:s8], $0x2FFFF;
	_ =	strace $0x9FFFFFFF  }
0xc4: {  	(tm) =	ssettm $0x7FFFFFFF  }
0xc5: {  	_ =	shalt  }
tec
execute0_lowered:
.L_overlay_start_1:
0x0: {  	(tag) =	ssettag $0x1  }
0x1: {  	s0 =	rddreg [dreg:$0x0]  }
0x2: {  	s1 =	rddreg [dreg:$0x1]  }
0x3: {  	s2 =	rddreg [dreg:$0x2];
	s3 =	simm.s32 $0x0  }
0x4: {  	s9 =	simm.s32 $0x3600;
	[smem:$0x7FF] =	sst s3  }
0x5: {  	s11 =	simm.s32 $0x4600;
	_ =	strace $0x80000047;
	[dreg:$0x6] =	wrdreg s9  }
0x6: {  	s13 =	simm.s32 $0x5600;
	[dreg:$0x7] =	wrdreg s11  }
0x7: {  	s15 =	simm.s32 $0x6600;
	[dreg:$0x8] =	wrdreg s13  }
0x8: {  	s17 =	simm.s32 $0x7600;
	[dreg:$0x9] =	wrdreg s15  }
0x9: {  	s4 =	srdreg.scid;
	s19 =	simm.s32 $0x8600;
	[dreg:$0xa] =	wrdreg s17  }
0xa: {  	s5 =	stileid.u32;
	s22 =	simm.s32 $0x9600;
	[dreg:$0xb] =	wrdreg s19  }
0xb: {  	s24 =	simm.s32 $0xA600;
	s26 =	simm.s32 $0xB600;
	[dreg:$0xc] =	wrdreg s22  }
0xc: {  	s28 =	simm.s32 $0xC600;
	s29 =	simm.s32 $0xD600;
	[dreg:$0xd] =	wrdreg s24  }
0xd: {  	s4 =	sand.u32 $0x1, s4;
	s5 =	sshll.u32 s5, $0x1;
	[dreg:$0xe] =	wrdreg s26  }
0xe: {  	s5 =	sor.u32 s4, s5;
	s4 =	ssub.s32 $0x2, s4;
	[dreg:$0xf] =	wrdreg s28  }
0xf: {  	[dreg:$0x10] =	wrdreg s29;
	s6 =	sshll.u32 s5, $0x6;
	s7 =	sshrl.u32 s4, $0x1  }
0x10: {  	s5 =	sshll.u32 s5, $0x9;
	s0 =	sadd.s32 s6, s0;
	s6 =	simm.s32 $0x1600  }
0x11: {  	s21 =	ssub.s32 s4, s7;
	s7 =	simm.s32 $0x2600;
	[dreg:$0x4] =	wrdreg s6  }
0x12: {  	s4 =	sadd.s32 s2, s5;
	s0 =	sadd.s32 $0x400, s0;
	[dreg:$0x5] =	wrdreg s7  }
0x13: {  	s30 =	sadd.s32 $0x80, s4;
	[dreg:$0x13] =	wrdreg s0  }
0x14: {  	s31 =	sadd.s32 $0x100, s4;
	[dreg:$0x14] =	wrdreg s30  }
0x15: {  	s2 =	sadd.s32 $0x180, s4;
	[dreg:$0x15] =	wrdreg s31  }
0x16: {  	v0 =	vlaneseq.u32;
	s5 =	sadd.s32 $0x4000, s4;
	[dreg:$0x16] =	wrdreg s2  }
0x17: {  	v0 =	vmul.u32 $0x1000, v0;
	s8 =	sadd.s32 $0x4100, s4;
	[dreg:$0x17] =	wrdreg s5  }
0x18: {  	s10 =	sadd.s32 $0x4180, s4;
	[dreg:$0x19] =	wrdreg s8  }
0x19: {  	v1 =	vor.u32 $0x80, v0;
	s12 =	sadd.s32 $0x8000, s4;
	[dreg:$0x1a] =	wrdreg s10  }
0x1a: {  	v2 =	vor.u32 $0x100, v0;
	v3 =	vor.u32 $0x180, v0;
	v4 =	vor.u32 $0x200, v0;
	s14 =	sadd.s32 $0x8080, s4;
	[dreg:$0x1b] =	wrdreg s12  }
0x1b: {  	v5 =	vor.u32 $0x280, v0;
	v6 =	vor.u32 $0x300, v0;
	v7 =	vor.u32 $0x380, v0;
	s16 =	sadd.s32 $0x8100, s4;
	[dreg:$0x1c] =	wrdreg s14  }
0x1c: {  	v8 =	vor.u32 $0x400, v0;
	v9 =	vor.u32 $0x480, v0;
	v10 =	vor.u32 $0x500, v0;
	s18 =	sadd.s32 $0x8180, s4;
	[dreg:$0x1d] =	wrdreg s16  }
0x1d: {  	s22 =	simm.s32 $0x2;
	v11 =	vor.u32 $0x580, v0;
	v12 =	vor.u32 $0x600, v0;
	v13 =	vor.u32 $0x680, v0;
	s20 =	sadd.s32 $0xC000, s4;
	[dreg:$0x1e] =	wrdreg s18  }
0x1e: {  	s24 =	simm.s32 $0x7A1400;
	v14 =	vor.u32 $0x700, v0;
	v15 =	vor.u32 $0x780, v0;
	v16 =	vor.u32 $0x800, v0;
	s23 =	sadd.s32 $0xC080, s4;
	[dreg:$0x1f] =	wrdreg s20  }
0x1f: {  	s26 =	simm.s32 $0x1;
	v17 =	vor.u32 $0x880, v0;
	v18 =	vor.u32 $0x900, v0;
	v19 =	vor.u32 $0x980, v0;
	s25 =	sadd.s32 $0xC100, s4;
	[smem:$0x7FC] =	sst s23  }
0x20: {  	v20 =	vor.u32 $0xA00, v0;
	v21 =	vor.u32 $0xA80, v0;
	v22 =	vor.u32 $0xB00, v0;
	s21 =	smax.u32 s21, $0x1;
	s2 =	sadd.s32 $0x4080, s4;
	[smem:$0x7FD] =	sst s25  }
0x21: {  	v23 =	vor.u32 $0xB80, v0;
	v24 =	vor.u32 $0xC00, v0;
	v25 =	vor.u32 $0xC80, v0;
	s20 =	sadd.s32 $0xC180, s4;
	s30 =	simm.s32 $0xE600;
	[dreg:$0x18] =	wrdreg s2  }
0x22: {  	v26 =	vor.u32 $0xD00, v0;
	v27 =	vor.u32 $0xD80, v0;
	v28 =	vor.u32 $0xE00, v0;
	s23 =	simm.s32 $0x400;
	s31 =	simm.s32 $0xF600;
	[dreg:$0x11] =	wrdreg s30  }
0x23: {  	v29 =	vor.u32 $0xE80, v0;
	v30 =	vor.u32 $0xF00, v0;
	v31 =	vor.u32 $0xF80, v0;
	s25 =	simm.s32 $0x600;
	s0 =	simm.s32 $0x0;
	[dreg:$0x12] =	wrdreg s31  }
.LBB2_1:
0x24: {  	s2 =	rddreg [dreg:$0x13]  }
0x25: {  	[tilespmem:s3], [sflag:$0x2] =	stream.linear.gather [hbm4b:s2+s3], $0x200, $0x38;
	[tilespmem:$0x14600] =	vst v63  }
0x26: {  	_ =	swait.ge [sflag:s22], $0x200  }
0x27: {  	[sflag:s22] =	ssyncset.done $0x0  }
0x28: {  	[sflag:s22] =	ssyncadd.s32 $0xFFFFFE00  }
0x29: {  	v33 =	vld [tilespmem:s3+$0x0];
	_ =	sdelay $0x4  }
0x2a: {  	s28 =	simm.s32 $0x10;
	s2 =	simm.s32 $0x200;
	v34 =	vand.u32 $0xFFFFFF80, v33  }
0x2b: {  	s30 =	simm.s32 $0x10;
	s29 =	simm.s32 $0x400;
	s31 =	simm.s32 $0x200;
	v32 =	vld [tilespmem:s28+$0x0];
	v33 =	vand.u32 $0x7F, v33;
	[tilespmem:s2+$0x0] =	vst v34  }
.LBB2_2:
0x2c: {  	s30 =	sadd.s32 $0x10, s30  }
0x2d: {  	[tilespmem:s29+$0x0] =	vst v33;
	s29 =	sadd.s32 $0x10, s29;
	s31 =	sadd.s32 $0x10, s31;
	p0 =	slt.u32 s30, $0x1F0  }
.Ltmp0:
0x2e: {  	(pc) =	sbr.rel @p0 .LBB2_2-.Ltmp0, $3  }
0x2f: {  	_ =	sdelay $0x1  }
0x30: {  	s28 =	sadd.s32 $0x10, s28;
	v33 =	vand.u32 $0xFFFFFF80, v32  }
0x31: {  	[tilespmem:s31+$0x0] =	vst v33;
	v33 =	vand.u32 $0x7F, v32;
	v32 =	vld [tilespmem:s28+$0x0]  }
0x32: {  	_ =	sdelay $0x3  }
0x33: {  	[tilespmem:s29+$0x0] =	vst v33;
	s28 =	sadd.s32 $0x10, s31;
	v62 =	vand.u32 $0xFFFFFF80, v32  }
0x34: {  	s30 =	sadd.s32 $0x10, s29;
	v63 =	vand.u32 $0x7F, v32;
	[tilespmem:s28+$0x0] =	vst v62  }
0x35: {  	s29 =	simm.s32 $0x400;
	s28 =	simm.s32 $0x0;
	[tilespmem:s30+$0x0] =	vst v63;
	s30 =	simm.s32 $0x0  }
.LBB2_4:
0x36: {  	v32 =	vld [tilespmem:s2+$0x0];
	_ =	sdelay $0x4  }
0x37: {  	(v2sf) =	vpush v32, $0x2  }
0x38: {  	(v2sf) =	vpush v32, $0x3  }
0x39: {  	(v2sf) =	vpush v32, $0x4  }
0x3a: {  	(v2sf) =	vpush v32, $0x5  }
0x3b: {  	(v2sf) =	vpush v32, $0x6  }
0x3c: {  	(v2sf) =	vpush v32, $0x7  }
0x3d: {  	(v2sf) =	vpush v32, $0x8  }
0x3e: {  	(v2sf) =	vpush v32, $0x9  }
0x3f: {  	(v2sf) =	vpush v32, $0xA  }
0x40: {  	(v2sf) =	vpush v32, $0xB  }
0x41: {  	(v2sf) =	vpush v32, $0xC  }
0x42: {  	(v2sf) =	vpush v32, $0xD  }
0x43: {  	(v2sf) =	vpush v32, $0xE  }
0x44: {  	(v2sf) =	vpush v32, $0xF  }
0x45: {  	(v2sf) =	vpush v32, $0x0  }
0x46: {  	s5 =	spop (v2sf)  }
0x47: {  	s6 =	spop (v2sf)  }
0x48: {  	s7 =	spop (v2sf)  }
0x49: {  	(v2sf) =	vpush v32, $0x1;
	s8 =	spop (v2sf)  }
0x4a: {  	s9 =	spop (v2sf)  }
0x4b: {  	s10 =	spop (v2sf)  }
0x4c: {  	s11 =	spop (v2sf)  }
0x4d: {  	s12 =	spop (v2sf)  }
0x4e: {  	s13 =	spop (v2sf)  }
0x4f: {  	s14 =	spop (v2sf)  }
0x50: {  	s15 =	spop (v2sf)  }
0x51: {  	s16 =	spop (v2sf)  }
0x52: {  	s17 =	spop (v2sf)  }
0x53: {  	s31 =	spop (v2sf)  }
0x54: {  	s18 =	spop (v2sf)  }
0x55: {  	s18 =	sand.u32 $0xFFFFF80, s18  }
0x56: {  	s18 =	sadd.s32 s1, s18  }
0x57: {  	[tilespmem:s25], [sflag:$0x1] =	stream.strided.gather [hbm4b:s18+s23], $0x1000, s24, s23, $0x38;
	[tilespmem:$0x14600] =	vst v63  }
0x58: {  	s18 =	spop (v2sf)  }
0x59: {  	s18 =	sand.u32 $0xFFFFF80, s18  }
0x5a: {  	s19 =	rddreg [dreg:$0x4];
	s5 =	sand.u32 $0xFFFFF80, s5;
	s18 =	sadd.s32 s1, s18  }
0x5b: {  	[tilespmem:s19], [sflag:$0x1] =	stream.strided.gather [hbm4b:s18+s23], $0x1000, s24, s23, $0x38;
	[tilespmem:$0x14600] =	vst v63  }
0x5c: {  	s5 =	sadd.s32 s1, s5;
	s6 =	sand.u32 $0xFFFFF80, s6;
	s19 =	rddreg [dreg:$0x5]  }
0x5d: {  	[tilespmem:s19], [sflag:$0x1] =	stream.strided.gather [hbm4b:s5+s23], $0x1000, s24, s23, $0x38;
	[tilespmem:$0x14600] =	vst v63  }
0x5e: {  	s6 =	sadd.s32 s1, s6;
	s19 =	rddreg [dreg:$0x6]  }
0x5f: {  	[tilespmem:s19], [sflag:$0x1] =	stream.strided.gather [hbm4b:s6+s23], $0x1000, s24, s23, $0x38;
	[tilespmem:$0x14600] =	vst v63  }
0x60: {  	s19 =	sand.u32 $0xFFFFF80, s7  }
0x61: {  	s8 =	sand.u32 $0xFFFFF80, s8;
	s18 =	rddreg [dreg:$0x7];
	s6 =	sadd.s32 s1, s19  }
0x62: {  	[tilespmem:s18], [sflag:$0x1] =	stream.strided.gather [hbm4b:s6+s23], $0x1000, s24, s23, $0x38;
	[tilespmem:$0x14600] =	vst v63  }
0x63: {  	s7 =	rddreg [dreg:$0x8];
	s19 =	sand.u32 $0xFFFFF80, s9;
	s6 =	sadd.s32 s1, s8  }
0x64: {  	[tilespmem:s7], [sflag:$0x1] =	stream.strided.gather [hbm4b:s6+s23], $0x1000, s24, s23, $0x38;
	[tilespmem:$0x14600] =	vst v63  }
0x65: {  	s18 =	rddreg [dreg:$0x9];
	s8 =	sand.u32 $0xFFFFF80, s10;
	s6 =	sadd.s32 s1, s19  }
0x66: {  	[tilespmem:s18], [sflag:$0x1] =	stream.strided.gather [hbm4b:s6+s23], $0x1000, s24, s23, $0x38;
	[tilespmem:$0x14600] =	vst v63  }
0x67: {  	s10 =	sand.u32 $0xFFFFF80, s11;
	s7 =	rddreg [dreg:$0xa];
	s6 =	sadd.s32 s1, s8  }
0x68: {  	[tilespmem:s7], [sflag:$0x1] =	stream.strided.gather [hbm4b:s6+s23], $0x1000, s24, s23, $0x38;
	[tilespmem:$0x14600] =	vst v63  }
0x69: {  	s12 =	sand.u32 $0xFFFFF80, s12;
	s9 =	rddreg [dreg:$0xb];
	s6 =	sadd.s32 s1, s10  }
0x6a: {  	[tilespmem:s9], [sflag:$0x1] =	stream.strided.gather [hbm4b:s6+s23], $0x1000, s24, s23, $0x38;
	[tilespmem:$0x14600] =	vst v63  }
0x6b: {  	s11 =	rddreg [dreg:$0xc];
	s19 =	sand.u32 $0xFFFFF80, s13;
	s6 =	sadd.s32 s1, s12  }
0x6c: {  	[tilespmem:s11], [sflag:$0x1] =	stream.strided.gather [hbm4b:s6+s23], $0x1000, s24, s23, $0x38;
	[tilespmem:$0x14600] =	vst v63  }
0x6d: {  	s18 =	rddreg [dreg:$0xd];
	s8 =	sand.u32 $0xFFFFF80, s14;
	s6 =	sadd.s32 s1, s19  }
0x6e: {  	[tilespmem:s18], [sflag:$0x1] =	stream.strided.gather [hbm4b:s6+s23], $0x1000, s24, s23, $0x38;
	[tilespmem:$0x14600] =	vst v63  }
0x6f: {  	s7 =	rddreg [dreg:$0xe];
	s10 =	sand.u32 $0xFFFFF80, s15;
	s6 =	sadd.s32 s1, s8  }
0x70: {  	[tilespmem:s7], [sflag:$0x1] =	stream.strided.gather [hbm4b:s6+s23], $0x1000, s24, s23, $0x38;
	[tilespmem:$0x14600] =	vst v63  }
0x71: {  	s9 =	rddreg [dreg:$0xf];
	s12 =	sand.u32 $0xFFFFF80, s16;
	s6 =	sadd.s32 s1, s10  }
0x72: {  	[tilespmem:s9], [sflag:$0x1] =	stream.strided.gather [hbm4b:s6+s23], $0x1000, s24, s23, $0x38;
	[tilespmem:$0x14600] =	vst v63  }
0x73: {  	s14 =	sand.u32 $0xFFFFF80, s17;
	s11 =	rddreg [dreg:$0x10];
	s6 =	sadd.s32 s1, s12  }
0x74: {  	[tilespmem:s11], [sflag:$0x1] =	stream.strided.gather [hbm4b:s6+s23], $0x1000, s24, s23, $0x38;
	[tilespmem:$0x14600] =	vst v63  }
0x75: {  	s13 =	rddreg [dreg:$0x11];
	s16 =	sand.u32 $0xFFFFF80, s31;
	s6 =	sadd.s32 s1, s14  }
0x76: {  	[tilespmem:s13], [sflag:$0x1] =	stream.strided.gather [hbm4b:s6+s23], $0x1000, s24, s23, $0x38;
	[tilespmem:$0x14600] =	vst v63  }
0x77: {  	s15 =	rddreg [dreg:$0x12];
	s6 =	sadd.s32 s1, s16  }
0x78: {  	[tilespmem:s15], [sflag:$0x1] =	stream.strided.gather [hbm4b:s6+s23], $0x1000, s24, s23, $0x38;
	[tilespmem:$0x14600] =	vst v63  }
0x79: {  	_ =	swait.ge [sflag:s26], $0x1000  }
0x7a: {  	[sflag:s26] =	ssyncset.done $0x0  }
0x7b: {  	[sflag:s26] =	ssyncadd.s32 $0xFFFFF000  }
0x7c: {  	_ =	swait.ge [sflag:s26], $0x1000  }
0x7d: {  	[sflag:s26] =	ssyncset.done $0x0  }
0x7e: {  	[sflag:s26] =	ssyncadd.s32 $0xFFFFF000  }
0x7f: {  	_ =	swait.ge [sflag:s26], $0x1000  }
0x80: {  	[sflag:s26] =	ssyncset.done $0x0  }
0x81: {  	[sflag:s26] =	ssyncadd.s32 $0xFFFFF000  }
0x82: {  	_ =	swait.ge [sflag:s26], $0x1000  }
0x83: {  	[sflag:s26] =	ssyncset.done $0x0  }
0x84: {  	[sflag:s26] =	ssyncadd.s32 $0xFFFFF000  }
0x85: {  	_ =	swait.ge [sflag:s26], $0x1000  }
0x86: {  	[sflag:s26] =	ssyncset.done $0x0  }
0x87: {  	[sflag:s26] =	ssyncadd.s32 $0xFFFFF000  }
0x88: {  	_ =	swait.ge [sflag:s26], $0x1000  }
0x89: {  	[sflag:s26] =	ssyncset.done $0x0  }
0x8a: {  	[sflag:s26] =	ssyncadd.s32 $0xFFFFF000  }
0x8b: {  	_ =	swait.ge [sflag:s26], $0x1000  }
0x8c: {  	[sflag:s26] =	ssyncset.done $0x0  }
0x8d: {  	[sflag:s26] =	ssyncadd.s32 $0xFFFFF000  }
0x8e: {  	_ =	swait.ge [sflag:s26], $0x1000  }
0x8f: {  	[sflag:s26] =	ssyncset.done $0x0  }
0x90: {  	[sflag:s26] =	ssyncadd.s32 $0xFFFFF000  }
0x91: {  	_ =	swait.ge [sflag:s26], $0x1000  }
0x92: {  	[sflag:s26] =	ssyncset.done $0x0  }
0x93: {  	[sflag:s26] =	ssyncadd.s32 $0xFFFFF000  }
0x94: {  	_ =	swait.ge [sflag:s26], $0x1000  }
0x95: {  	[sflag:s26] =	ssyncset.done $0x0  }
0x96: {  	[sflag:s26] =	ssyncadd.s32 $0xFFFFF000  }
0x97: {  	_ =	swait.ge [sflag:s26], $0x1000  }
0x98: {  	[sflag:s26] =	ssyncset.done $0x0  }
0x99: {  	[sflag:s26] =	ssyncadd.s32 $0xFFFFF000  }
0x9a: {  	_ =	swait.ge [sflag:s26], $0x1000  }
0x9b: {  	[sflag:s26] =	ssyncset.done $0x0  }
0x9c: {  	[sflag:s26] =	ssyncadd.s32 $0xFFFFF000  }
0x9d: {  	_ =	swait.ge [sflag:s26], $0x1000  }
0x9e: {  	[sflag:s26] =	ssyncset.done $0x0  }
0x9f: {  	[sflag:s26] =	ssyncadd.s32 $0xFFFFF000  }
0xa0: {  	_ =	swait.ge [sflag:s26], $0x1000  }
0xa1: {  	[sflag:s26] =	ssyncset.done $0x0  }
0xa2: {  	[sflag:s26] =	ssyncadd.s32 $0xFFFFF000  }
0xa3: {  	_ =	swait.ge [sflag:s26], $0x1000  }
0xa4: {  	[sflag:s26] =	ssyncset.done $0x0  }
0xa5: {  	[sflag:s26] =	ssyncadd.s32 $0xFFFFF000  }
0xa6: {  	_ =	swait.ge [sflag:s26], $0x1000  }
0xa7: {  	[sflag:s26] =	ssyncset.done $0x0  }
0xa8: {  	[sflag:s26] =	ssyncadd.s32 $0xFFFFF000  }
0xa9: {  	v32 =	vld [tilespmem:s29+$0x0];
	_ =	sdelay $0x4  }
0xaa: {  	v33 =	vadd.s32 v0, v32;
	_ =	sdelay $0x4  }
0xab: {  	v33 =	vld.idx.msk [tilespmem:v33+s25+$0x0], $0xffff  }
0xac: {  	v34 =	vadd.s32 v1, v32;
	_ =	sdelay $0x1  }
0xad: {  	s17 =	sand.u32 $0x70, s28;
	s18 =	sand.u32 $0xC00, s30  }
0xae: {  	s19 =	sor.u32 s17, s18  }
0xaf: {  	[tilespmem:s19+$0x10600] =	vst v33  }
0xb0: {  	v33 =	vld.idx.msk [tilespmem:v34+s25+$0x0], $0xffff  }
0xb1: {  	v63 =	vadd.s32 v2, v32;
	_ =	sdelay $0x2  }
0xb2: {  	s5 =	sadd.s32 $0x10600, s19  }
0xb3: {  	[tilespmem:s5+$0x80] =	vst v33  }
0xb4: {  	v33 =	vld.idx.msk [tilespmem:v63+s25+$0x0], $0xffff  }
0xb5: {  	v36 =	vadd.s32 v3, v32;
	_ =	sdelay $0x3  }
0xb6: {  	[tilespmem:s5+$0x100] =	vst v33  }
0xb7: {  	v33 =	vld.idx.msk [tilespmem:v36+s25+$0x0], $0xffff  }
0xb8: {  	v37 =	vadd.s32 v4, v32;
	_ =	sdelay $0x3  }
0xb9: {  	[tilespmem:s5+$0x180] =	vst v33  }
0xba: {  	v33 =	vld.idx.msk [tilespmem:v37+s25+$0x0], $0xffff  }
0xbb: {  	v38 =	vadd.s32 v5, v32;
	_ =	sdelay $0x3  }
0xbc: {  	[tilespmem:s5+$0x200] =	vst v33  }
0xbd: {  	v33 =	vld.idx.msk [tilespmem:v38+s25+$0x0], $0xffff  }
0xbe: {  	v39 =	vadd.s32 v6, v32;
	_ =	sdelay $0x3  }
0xbf: {  	[tilespmem:s5+$0x280] =	vst v33  }
0xc0: {  	v33 =	vld.idx.msk [tilespmem:v39+s25+$0x0], $0xffff  }
0xc1: {  	v40 =	vadd.s32 v7, v32;
	_ =	sdelay $0x3  }
0xc2: {  	[tilespmem:s5+$0x300] =	vst v33  }
0xc3: {  	v33 =	vld.idx.msk [tilespmem:v40+s25+$0x0], $0xffff  }
0xc4: {  	v41 =	vadd.s32 v8, v32;
	_ =	sdelay $0x3  }
0xc5: {  	[tilespmem:s5+$0x380] =	vst v33  }
0xc6: {  	v33 =	vld.idx.msk [tilespmem:v41+s25+$0x0], $0xffff  }
0xc7: {  	v42 =	vadd.s32 v9, v32;
	_ =	sdelay $0x3  }
0xc8: {  	[tilespmem:s19+$0x11600] =	vst v33  }
0xc9: {  	v33 =	vld.idx.msk [tilespmem:v42+s25+$0x0], $0xffff  }
0xca: {  	v43 =	vadd.s32 v10, v32;
	_ =	sdelay $0x3  }
0xcb: {  	[tilespmem:s19+$0x11680] =	vst v33  }
0xcc: {  	v33 =	vld.idx.msk [tilespmem:v43+s25+$0x0], $0xffff  }
0xcd: {  	v44 =	vadd.s32 v11, v32;
	_ =	sdelay $0x3  }
0xce: {  	[tilespmem:s19+$0x11700] =	vst v33  }
0xcf: {  	v33 =	vld.idx.msk [tilespmem:v44+s25+$0x0], $0xffff  }
0xd0: {  	v45 =	vadd.s32 v12, v32;
	_ =	sdelay $0x3  }
0xd1: {  	[tilespmem:s19+$0x11780] =	vst v33  }
0xd2: {  	v33 =	vld.idx.msk [tilespmem:v45+s25+$0x0], $0xffff  }
0xd3: {  	v46 =	vadd.s32 v13, v32;
	_ =	sdelay $0x3  }
0xd4: {  	[tilespmem:s19+$0x11800] =	vst v33  }
0xd5: {  	v33 =	vld.idx.msk [tilespmem:v46+s25+$0x0], $0xffff  }
0xd6: {  	v47 =	vadd.s32 v14, v32;
	_ =	sdelay $0x3  }
0xd7: {  	[tilespmem:s19+$0x11880] =	vst v33  }
0xd8: {  	v33 =	vld.idx.msk [tilespmem:v47+s25+$0x0], $0xffff  }
0xd9: {  	v48 =	vadd.s32 v15, v32;
	_ =	sdelay $0x3  }
0xda: {  	[tilespmem:s19+$0x11900] =	vst v33  }
0xdb: {  	v33 =	vld.idx.msk [tilespmem:v48+s25+$0x0], $0xffff  }
0xdc: {  	v49 =	vadd.s32 v16, v32;
	_ =	sdelay $0x3  }
0xdd: {  	[tilespmem:s19+$0x11980] =	vst v33  }
0xde: {  	v33 =	vld.idx.msk [tilespmem:v49+s25+$0x0], $0xffff  }
0xdf: {  	v50 =	vadd.s32 v17, v32;
	_ =	sdelay $0x3  }
0xe0: {  	[tilespmem:s19+$0x12600] =	vst v33  }
0xe1: {  	v33 =	vld.idx.msk [tilespmem:v50+s25+$0x0], $0xffff  }
0xe2: {  	v51 =	vadd.s32 v18, v32;
	_ =	sdelay $0x3  }
0xe3: {  	[tilespmem:s19+$0x12680] =	vst v33  }
0xe4: {  	v33 =	vld.idx.msk [tilespmem:v51+s25+$0x0], $0xffff  }
0xe5: {  	v52 =	vadd.s32 v19, v32;
	_ =	sdelay $0x3  }
0xe6: {  	[tilespmem:s19+$0x12700] =	vst v33  }
0xe7: {  	v33 =	vld.idx.msk [tilespmem:v52+s25+$0x0], $0xffff  }
0xe8: {  	v53 =	vadd.s32 v20, v32;
	_ =	sdelay $0x3  }
0xe9: {  	[tilespmem:s19+$0x12780] =	vst v33  }
0xea: {  	v33 =	vld.idx.msk [tilespmem:v53+s25+$0x0], $0xffff  }
0xeb: {  	v54 =	vadd.s32 v21, v32;
	_ =	sdelay $0x3  }
0xec: {  	[tilespmem:s19+$0x12800] =	vst v33  }
0xed: {  	v33 =	vld.idx.msk [tilespmem:v54+s25+$0x0], $0xffff  }
0xee: {  	v55 =	vadd.s32 v22, v32;
	_ =	sdelay $0x3  }
0xef: {  	[tilespmem:s19+$0x12880] =	vst v33  }
0xf0: {  	v33 =	vld.idx.msk [tilespmem:v55+s25+$0x0], $0xffff  }
0xf1: {  	v56 =	vadd.s32 v23, v32;
	_ =	sdelay $0x3  }
0xf2: {  	[tilespmem:s19+$0x12900] =	vst v33  }
0xf3: {  	v33 =	vld.idx.msk [tilespmem:v56+s25+$0x0], $0xffff  }
0xf4: {  	v57 =	vadd.s32 v24, v32;
	_ =	sdelay $0x3  }
0xf5: {  	[tilespmem:s19+$0x12980] =	vst v33  }
0xf6: {  	v33 =	vld.idx.msk [tilespmem:v57+s25+$0x0], $0xffff  }
0xf7: {  	v58 =	vadd.s32 v25, v32;
	_ =	sdelay $0x3  }
0xf8: {  	[tilespmem:s19+$0x13600] =	vst v33  }
0xf9: {  	v33 =	vld.idx.msk [tilespmem:v58+s25+$0x0], $0xffff  }
0xfa: {  	v59 =	vadd.s32 v26, v32;
	_ =	sdelay $0x3  }
0xfb: {  	[tilespmem:s19+$0x13680] =	vst v33  }
0xfc: {  	v33 =	vld.idx.msk [tilespmem:v59+s25+$0x0], $0xffff  }
0xfd: {  	v60 =	vadd.s32 v27, v32;
	_ =	sdelay $0x3  }
0xfe: {  	[tilespmem:s19+$0x13700] =	vst v33  }
0xff: {  	v33 =	vld.idx.msk [tilespmem:v60+s25+$0x0], $0xffff  }
0x100: {  	v61 =	vadd.s32 v28, v32;
	_ =	sdelay $0x3  }
0x101: {  	[tilespmem:s19+$0x13780] =	vst v33  }
0x102: {  	v33 =	vld.idx.msk [tilespmem:v61+s25+$0x0], $0xffff  }
0x103: {  	v62 =	vadd.s32 v29, v32;
	_ =	sdelay $0x3  }
0x104: {  	[tilespmem:s19+$0x13800] =	vst v33  }
0x105: {  	v33 =	vld.idx.msk [tilespmem:v62+s25+$0x0], $0xffff  }
0x106: {  	v63 =	vadd.s32 v30, v32;
	_ =	sdelay $0x3  }
0x107: {  	[tilespmem:s19+$0x13880] =	vst v33  }
0x108: {  	v33 =	vld.idx.msk [tilespmem:v63+s25+$0x0], $0xffff  }
0x109: {  	v32 =	vadd.s32 v31, v32;
	_ =	sdelay $0x3  }
0x10a: {  	[tilespmem:s19+$0x13900] =	vst v33  }
0x10b: {  	p0 =	sne.s32 s30, $0xF80;
	v32 =	vld.idx.msk [tilespmem:v32+s25+$0x0], $0xffff  }
.Ltmp1:
0x10c: {  	_ = 	snop;
	(pc) =	sbr.rel @p0 .LBB2_4-.Ltmp1, $3  }
0x10d: {  	_ =	sdelay $0x1  }
0x10e: {  	s2 =	sadd.s32 $0x10, s2  }
0x10f: {  	s28 =	sadd.s32 $0x10, s28;
	s30 =	sadd.s32 $0x80, s30;
	s29 =	sadd.s32 $0x10, s29;
	[tilespmem:s19+$0x13980] =	vst v32  }
0x110: {  	s2 =	simm.s32 $0x10600  }
0x111: {  	[hbm4b:s4+s3] =	stream.linear.scatter [tilespmem:s2], [sflag:$0x2], $0x400, $0x38;
	[tilespmem:$0x14600] =	vst v63  }
0x112: {  	_ =	swait.ge [sflag:s22], $0x400  }
0x113: {  	[sflag:s22] =	ssyncset.done $0x0  }
0x114: {  	s5 =	simm.s32 $0x10A00;
	s15 =	rddreg [dreg:$0x14];
	[sflag:s22] =	ssyncadd.s32 $0xFFFFFC00  }
0x115: {  	[hbm4b:s15+s3] =	stream.linear.scatter [tilespmem:s5], [sflag:$0x2], $0x400, $0x38;
	[tilespmem:$0x14600] =	vst v63  }
0x116: {  	_ =	swait.ge [sflag:s22], $0x400  }
0x117: {  	[sflag:s22] =	ssyncset.done $0x0  }
0x118: {  	s17 =	simm.s32 $0x10E00;
	s16 =	rddreg [dreg:$0x15];
	[sflag:s22] =	ssyncadd.s32 $0xFFFFFC00  }
0x119: {  	[hbm4b:s16+s3] =	stream.linear.scatter [tilespmem:s17], [sflag:$0x2], $0x400, $0x38;
	[tilespmem:$0x14600] =	vst v63  }
0x11a: {  	_ =	swait.ge [sflag:s22], $0x400  }
0x11b: {  	[sflag:s22] =	ssyncset.done $0x0  }
0x11c: {  	s19 =	simm.s32 $0x11200;
	s18 =	rddreg [dreg:$0x16];
	[sflag:s22] =	ssyncadd.s32 $0xFFFFFC00  }
0x11d: {  	[hbm4b:s18+s3] =	stream.linear.scatter [tilespmem:s19], [sflag:$0x2], $0x400, $0x38;
	[tilespmem:$0x14600] =	vst v63  }
0x11e: {  	_ =	swait.ge [sflag:s22], $0x400  }
0x11f: {  	[sflag:s22] =	ssyncset.done $0x0  }
0x120: {  	s29 =	simm.s32 $0x11600;
	s28 =	rddreg [dreg:$0x17];
	[sflag:s22] =	ssyncadd.s32 $0xFFFFFC00  }
0x121: {  	[hbm4b:s28+s3] =	stream.linear.scatter [tilespmem:s29], [sflag:$0x2], $0x400, $0x38;
	[tilespmem:$0x14600] =	vst v63  }
0x122: {  	_ =	swait.ge [sflag:s22], $0x400  }
0x123: {  	[sflag:s22] =	ssyncset.done $0x0  }
0x124: {  	s31 =	simm.s32 $0x11A00;
	s30 =	rddreg [dreg:$0x18];
	[sflag:s22] =	ssyncadd.s32 $0xFFFFFC00  }
0x125: {  	[hbm4b:s30+s3] =	stream.linear.scatter [tilespmem:s31], [sflag:$0x2], $0x400, $0x38;
	[tilespmem:$0x14600] =	vst v63  }
0x126: {  	_ =	swait.ge [sflag:s22], $0x400  }
0x127: {  	[sflag:s22] =	ssyncset.done $0x0  }
0x128: {  	s6 =	simm.s32 $0x11E00;
	s5 =	rddreg [dreg:$0x19];
	[sflag:s22] =	ssyncadd.s32 $0xFFFFFC00  }
0x129: {  	[hbm4b:s5+s3] =	stream.linear.scatter [tilespmem:s6], [sflag:$0x2], $0x400, $0x38;
	[tilespmem:$0x14600] =	vst v63  }
0x12a: {  	_ =	swait.ge [sflag:s22], $0x400  }
0x12b: {  	[sflag:s22] =	ssyncset.done $0x0  }
0x12c: {  	s8 =	simm.s32 $0x12200;
	s7 =	rddreg [dreg:$0x1a];
	[sflag:s22] =	ssyncadd.s32 $0xFFFFFC00  }
0x12d: {  	[hbm4b:s7+s3] =	stream.linear.scatter [tilespmem:s8], [sflag:$0x2], $0x400, $0x38;
	[tilespmem:$0x14600] =	vst v63  }
0x12e: {  	_ =	swait.ge [sflag:s22], $0x400  }
0x12f: {  	[sflag:s22] =	ssyncset.done $0x0  }
0x130: {  	s10 =	simm.s32 $0x12600;
	s9 =	rddreg [dreg:$0x1b];
	[sflag:s22] =	ssyncadd.s32 $0xFFFFFC00  }
0x131: {  	[hbm4b:s9+s3] =	stream.linear.scatter [tilespmem:s10], [sflag:$0x2], $0x400, $0x38;
	[tilespmem:$0x14600] =	vst v63  }
0x132: {  	_ =	swait.ge [sflag:s22], $0x400  }
0x133: {  	[sflag:s22] =	ssyncset.done $0x0  }
0x134: {  	s12 =	simm.s32 $0x12A00;
	s11 =	rddreg [dreg:$0x1c];
	[sflag:s22] =	ssyncadd.s32 $0xFFFFFC00  }
0x135: {  	[hbm4b:s11+s3] =	stream.linear.scatter [tilespmem:s12], [sflag:$0x2], $0x400, $0x38;
	[tilespmem:$0x14600] =	vst v63  }
0x136: {  	_ =	swait.ge [sflag:s22], $0x400  }
0x137: {  	[sflag:s22] =	ssyncset.done $0x0  }
0x138: {  	s14 =	simm.s32 $0x12E00;
	s13 =	rddreg [dreg:$0x1d];
	[sflag:s22] =	ssyncadd.s32 $0xFFFFFC00  }
0x139: {  	[hbm4b:s13+s3] =	stream.linear.scatter [tilespmem:s14], [sflag:$0x2], $0x400, $0x38;
	[tilespmem:$0x14600] =	vst v63  }
0x13a: {  	_ =	swait.ge [sflag:s22], $0x400  }
0x13b: {  	[sflag:s22] =	ssyncset.done $0x0  }
0x13c: {  	s16 =	simm.s32 $0x13200;
	s15 =	rddreg [dreg:$0x1e];
	[sflag:s22] =	ssyncadd.s32 $0xFFFFFC00  }
0x13d: {  	[hbm4b:s15+s3] =	stream.linear.scatter [tilespmem:s16], [sflag:$0x2], $0x400, $0x38;
	[tilespmem:$0x14600] =	vst v63  }
0x13e: {  	_ =	swait.ge [sflag:s22], $0x400  }
0x13f: {  	[sflag:s22] =	ssyncset.done $0x0  }
0x140: {  	s18 =	simm.s32 $0x13600;
	s17 =	rddreg [dreg:$0x1f];
	[sflag:s22] =	ssyncadd.s32 $0xFFFFFC00  }
0x141: {  	[hbm4b:s17+s3] =	stream.linear.scatter [tilespmem:s18], [sflag:$0x2], $0x400, $0x38;
	[tilespmem:$0x14600] =	vst v63  }
0x142: {  	_ =	swait.ge [sflag:s22], $0x400  }
0x143: {  	s19 =	sld [smem:$0x7FC]  }
0x144: {  	[sflag:s22] =	ssyncset.done $0x0  }
0x145: {  	s28 =	simm.s32 $0x13A00;
	[sflag:s22] =	ssyncadd.s32 $0xFFFFFC00  }
0x146: {  	[hbm4b:s19+s3] =	stream.linear.scatter [tilespmem:s28], [sflag:$0x2], $0x400, $0x38;
	[tilespmem:$0x14600] =	vst v63  }
0x147: {  	_ =	swait.ge [sflag:s22], $0x400  }
0x148: {  	s29 =	sld [smem:$0x7FD]  }
0x149: {  	[sflag:s22] =	ssyncset.done $0x0  }
0x14a: {  	s30 =	simm.s32 $0x13E00;
	[sflag:s22] =	ssyncadd.s32 $0xFFFFFC00  }
0x14b: {  	[hbm4b:s29+s3] =	stream.linear.scatter [tilespmem:s30], [sflag:$0x2], $0x400, $0x38;
	[tilespmem:$0x14600] =	vst v63  }
0x14c: {  	s0 =	sadd.s32 $0x1, s0;
	_ =	swait.ge [sflag:s22], $0x400  }
0x14d: {  	p0 =	sne.s32 s0, s21;
	[sflag:s22] =	ssyncset.done $0x0  }
.Ltmp2:
0x14e: {  	s31 =	simm.s32 $0x14200;
	[sflag:s22] =	ssyncadd.s32 $0xFFFFFC00;
	(pc) =	sbr.rel @p0 .LBB2_1-.Ltmp2, $4  }
0x14f: {  	[hbm4b:s20+s3] =	stream.linear.scatter [tilespmem:s31], [sflag:$0x2], $0x400, $0x38;
	[tilespmem:$0x14600] =	vst v63  }
0x150: {  	_ =	swait.ge [sflag:s22], $0x400  }
0x151: {  	[sflag:s22] =	ssyncset.done $0x0  }
0x152: {  	[sflag:s22] =	ssyncadd.s32 $0xFFFFFC00  }
0x153: {  	_ =	sfence.sel $0x180000  }
0x154: {  	[bflag:$0x0] =	sbarrier.arrive $0xFFFF  }
0x155: {  	_ =	strace $0x90000047  }
0x156: {  	s0 =	stileid.u32;
	[bflag:$0x2] =	sbarrier.arrive $0xFFFF  }
0x157: {  	p0 =	sne.s32 s0, $0x0;
	s0 =	rddreg [dreg:$0x3]  }
0x158: {  	s0 =	sadd.s32 @!p0 $0x100000, s0  }
0x159: {  	[sflag:s0] =	ssyncadd.tile.s32 @!p0 $0x1;
	_ =	shalt  }
.Lfunc_end2:
_tile_overlayer_lowered:
.L_overlay_start_2:
0x15a: {  	(tag) =	ssettag $0x2  }
0x15b: {  	s0 =	rddreg [dreg:$0x0];
	s2 =	stileid.u32  }
0x15c: {  	s1 =	rddreg [dreg:$0x1];
	p0 =	sne.s32 s2, $0x0  }
0x15d: {  	s3 =	rddreg [dreg:$0x2];
	[bflag:$0x3] =	sbarrier.arrive $0xFFFF;
	s2 =	simm.s32 @!p0 $0x1C02  }
0x15e: {  	[timem:s3], [sflag:s2] =	dma.local @!p0 [hbm:s0], s1  }
0x15f: {  	s0 =	simm.s32 @!p0 $0x2  }
0x160: {  	_ =	swait.ge @!p0 [sflag:s0], s1  }
0x161: {  	s1 =	ssub.s32 @!p0 $0x0, s1;
	[sflag:s0] =	ssyncset.done @!p0 $0x0  }
0x162: {  	[sflag:s0] =	ssyncadd.s32 @!p0 s1  }
0x163: {  	[bflag:$0x3] =	sbarrier.arrive $0xFFFF  }
0x164: {  	_ =	shalt  }

</sc_bundles>
